<compile_context>
chip_gen: v7x
topology: tpu7x:2x2x1
jax: 0.10.2.dev20260603
libtpu: 0.0.44.dev20260713+nightly
codegen_flags: <defaults>
</compile_context>

<pallas_src>
import functools

import jax
import jax.numpy as jnp
from jax import lax
from jax.experimental import pallas as pl
from jax.experimental.pallas import tpu as pltpu
from jax.experimental.pallas import tpu_sc as plsc

N = 10000
D = 128
NS = 16
NPAD = 10112
RPT = NPAD // NS
KC = 128
SB = 8

_mesh = plsc.VectorSubcoreMesh(
    core_axis_name="c", subcore_axis_name="s", num_cores=1, num_subcores=NS
)


def _hist_body(nsup, dst_hbm, ones_hbm, z8_hbm, degp_hbm, dst_sb, ones_v, acc8):
    s = lax.axis_index("s")
    r0 = s * RPT
    pltpu.sync_copy(z8_hbm.at[pl.ds(r0, RPT)], acc8.at[pl.ds(r0, RPT)])
    pltpu.sync_copy(ones_hbm, ones_v)
    plsc.subcore_barrier()
    sup0 = s * nsup

    def body(g, _):
        pltpu.sync_copy(dst_hbm.at[sup0 + g], dst_sb)
        for j in range(SB):
            pltpu.sync_copy(ones_v, acc8.at[dst_sb.at[j]], add=True)
        return ()

    lax.fori_loop(0, nsup, body, ())
    plsc.subcore_barrier()
    pltpu.sync_copy(acc8.at[pl.ds(r0, RPT)], degp_hbm.at[pl.ds(r0, RPT)])


def _agg_body(nsup, src_hbm, dst_hbm, y_hbm, z_hbm, out_hbm,
              src_sb, dst_sb, gb0, gb1, acc, semA, semB):
    s = lax.axis_index("s")
    r0 = s * RPT
    pltpu.sync_copy(z_hbm.at[pl.ds(r0, RPT)], acc.at[pl.ds(r0, RPT)])
    plsc.subcore_barrier()
    sup0 = s * nsup

    gbufs = (gb0, gb1)
    sems = (semA, semB)

    def body(g, _):
        pltpu.sync_copy(src_hbm.at[sup0 + g], src_sb)
        pltpu.sync_copy(dst_hbm.at[sup0 + g], dst_sb)
        pltpu.make_async_copy(y_hbm.at[src_sb.at[0]], gb0, semA).start()
        pltpu.make_async_copy(y_hbm.at[src_sb.at[1]], gb1, semB).start()
        for j in range(SB):
            gb, sem = gbufs[j % 2], sems[j % 2]
            pltpu.make_async_copy(y_hbm.at[src_sb.at[j]], gb, sem).wait()
            pltpu.sync_copy(gb, acc.at[dst_sb.at[j]], add=True)
            if j + 2 < SB:
                pltpu.make_async_copy(
                    y_hbm.at[src_sb.at[j + 2]], gb, sem).start()
        return ()

    lax.fori_loop(0, nsup, body, ())
    plsc.subcore_barrier()
    pltpu.sync_copy(acc.at[pl.ds(r0, RPT)], out_hbm.at[pl.ds(r0, RPT)])


def _mm_body(xp_ref, w_ref, h_ref, y_ref, dinvb_ref):
    deg = h_ref[:, 0:1] + 1.0
    dinv = 1.0 / jnp.sqrt(deg)
    xw = jnp.dot(xp_ref[...], w_ref[...], preferred_element_type=jnp.float32)
    y_ref[...] = xw * dinv
    dinvb_ref[...] = jnp.broadcast_to(dinv, (NPAD, D))


def _fin_body(p_ref, y_ref, dinvb_ref, b_ref, a_ref, o_ref):
    h = dinvb_ref[...] * (p_ref[...] + y_ref[...]) + b_ref[...]
    res = jnp.where(h > 0, h, a_ref[...] * h)
    o_ref[...] = res[:N, :]


def kernel(x, edge_index, W, b, prelu_a):
    E = edge_index.shape[1]
    totch_min = -(-E // KC)
    nck = -(-totch_min // (NS * SB)) * SB
    totch = NS * nck
    nsup = nck // SB
    epad = totch * KC

    pad = jnp.full((epad - E,), N, dtype=jnp.int32)
    src_r = jnp.concatenate([edge_index[0], pad]).reshape(totch // SB, SB, KC)
    dst_r = jnp.concatenate([edge_index[1], pad]).reshape(totch // SB, SB, KC)

    xp = jnp.pad(x, ((0, NPAD - N), (0, 0)))
    ones_row = jnp.zeros((KC, 8), jnp.float32).at[:, 0].set(1.0)
    z8 = jnp.zeros((NPAD, 8), jnp.float32)
    z128 = jnp.zeros((NPAD, D), jnp.float32)

    hist = pl.kernel(
        functools.partial(_hist_body, nsup),
        out_type=jax.ShapeDtypeStruct((NPAD, 8), jnp.float32),
        mesh=_mesh,
        scratch_types=[
            pltpu.VMEM((SB, KC), jnp.int32),
            pltpu.VMEM((KC, 8), jnp.float32),
            pltpu.VMEM_SHARED((NPAD, 8), jnp.float32),
        ],
    )
    degp = hist(dst_r, ones_row, z8)

    y, dinvb = pl.pallas_call(
        _mm_body,
        out_shape=[
            jax.ShapeDtypeStruct((NPAD, D), jnp.float32),
            jax.ShapeDtypeStruct((NPAD, D), jnp.float32),
        ],
    )(xp, W, degp)

    agg = pl.kernel(
        functools.partial(_agg_body, nsup),
        out_type=jax.ShapeDtypeStruct((NPAD, D), jnp.float32),
        mesh=_mesh,
        scratch_types=[
            pltpu.VMEM((SB, KC), jnp.int32),
            pltpu.VMEM((SB, KC), jnp.int32),
            pltpu.VMEM((KC, D), jnp.float32),
            pltpu.VMEM((KC, D), jnp.float32),
            pltpu.VMEM_SHARED((NPAD, D), jnp.float32),
            pltpu.SemaphoreType.DMA,
            pltpu.SemaphoreType.DMA,
        ],
    )(src_r, dst_r, y, z128)

    b2 = jnp.broadcast_to(b.reshape(1, D), (1, D))
    a2 = jnp.broadcast_to(prelu_a.reshape(1, 1), (1, D))
    out = pl.pallas_call(
        _fin_body,
        out_shape=jax.ShapeDtypeStruct((N, D), jnp.float32),
    )(agg, y, dinvb, b2, a2)
    return out

# --- scband reference (transcript-rebuilt; emitter-appended) ---
"""Pipeline reference for scband-gcn-text-61959198212218 (READ-ONLY COPY).

The authoritative reference and input builder live on the scoring server;
editing this copy changes nothing except your own understanding.
"""

import jax, jax.numpy as jnp
import numpy as np

N = 10000
E = 320000
D_IN = 128
D_OUT = 128


def setup_inputs(seed: int = 0) -> dict:
    key = jax.random.key(seed)
    k1, k2, k3, k4 = jax.random.split(key, 4)
    x = jax.random.normal(k1, (N, D_IN), dtype=jnp.float32)
    edge_index = jax.random.randint(k2, (2, E), 0, N, dtype=jnp.int32)
    # GCNConv learned params: weight [in, out], bias [out]
    W = jax.random.normal(k3, (D_IN, D_OUT), dtype=jnp.float32) * (1.0 / np.sqrt(D_IN))
    b = jnp.zeros((D_OUT,), dtype=jnp.float32)
    # PReLU single learned slope (default init 0.25)
    prelu_a = jnp.full((1,), 0.25, dtype=jnp.float32)
    return {"x": x, "edge_index": edge_index, "W": W, "b": b, "prelu_a": prelu_a}


def _gcn_prelu(x, edge_index, W, b, prelu_a):
    # GCNConv with default add_self_loops=True, normalize=True
    src = edge_index[0]
    dst = edge_index[1]
    loop = jnp.arange(N, dtype=src.dtype)
    src = jnp.concatenate([src, loop], axis=0)
    dst = jnp.concatenate([dst, loop], axis=0)
    # symmetric normalization: deg^{-1/2}[src] * deg^{-1/2}[dst]
    ones = jnp.ones(dst.shape[0], dtype=jnp.float32)
    deg = jax.ops.segment_sum(ones, dst, num_segments=N)
    dinv = jnp.where(deg > 0, 1.0 / jnp.sqrt(deg), 0.0)
    norm = dinv[src] * dinv[dst]
    # linear transform then gather/scatter-add message passing
    xw = x @ W
    msgs = norm[:, None] * jnp.take(xw, src, axis=0)
    hid = jax.ops.segment_sum(msgs, dst, num_segments=N) + b
    # PReLU with a single shared slope
    out = jnp.where(hid > 0, hid, prelu_a * hid)
    return out


def reference(x, edge_index, W, b, prelu_a):
    return _gcn_prelu(x, edge_index, W, b, prelu_a)

if __name__ == "__main__":
    import jax
    _d = setup_inputs()
    print(jax.jit(kernel)(*tuple(_d.values())))

</pallas_src>

<mosaic_0001>
#map = affine_map<(d0, d1) -> (0, 0, 0)>
#map1 = affine_map<(d0, d1) -> (0, 0)>
module attributes {stable_mosaic.version = 14 : i64} {
  func.func @_agg_body(%arg0: i32, %arg1: i32, %arg2: memref<320x8x128xi32, #tpu.memory_space<hbm>>, %arg3: memref<320x8x128xi32, #tpu.memory_space<hbm>>, %arg4: memref<10112x128xf32, #tpu.memory_space<hbm>>, %arg5: memref<10112x128xf32, #tpu.memory_space<hbm>>, %arg6: memref<10112x128xf32, #tpu.memory_space<hbm>>, %arg7: memref<8x128xi32, #tpu.memory_space<vmem>>, %arg8: memref<8x128xi32, #tpu.memory_space<vmem>>, %arg9: memref<128x128xf32, #tpu.memory_space<vmem>>, %arg10: memref<128x128xf32, #tpu.memory_space<vmem>>, %arg11: memref<10112x128xf32, #tpu.memory_space<vmem_shared>>, %arg12: memref<!tpu.dma_semaphore, #tpu.memory_space<semaphore_mem>>, %arg13: memref<!tpu.dma_semaphore, #tpu.memory_space<semaphore_mem>>) attributes {dimension_semantics = [#tpu.dimension_semantics<core_parallel>, #tpu.dimension_semantics<subcore_parallel>], iteration_bounds = array<i64: 1, 16>, scalar_prefetch = 0 : i64, scratch_operands = 7 : i64, tpu.core_type = #tpu.core_type<sc_vector_subcore>, window_params = [{transform_indices = #map}, {transform_indices = #map}, {transform_indices = #map1}, {transform_indices = #map1}, {transform_indices = #map1}]} {
    %mul3A = arith.constant 632 : i32
    %mul3A_0 = arith.muli %arg1, %mul3A : i32
    "tpu.region"() ({
      %run_scoped3A = tpu.sem_alloc : memref<!tpu.dma_semaphore, #tpu.memory_space<semaphore_mem>>
      %dma_start3A = arith.constant 0 : i32
      %dma_start3A_8 = tpu.memref_slice %arg11[%mul3A_0, %dma_start3A] : memref<10112x128xf32, #tpu.memory_space<vmem_shared>> -> memref<632x128xf32, #tpu.memory_space<vmem_shared>>
      %dma_start3A_9 = arith.constant 0 : i32
      %dma_start3A_10 = tpu.memref_slice %arg5[%mul3A_0, %dma_start3A_9] : memref<10112x128xf32, #tpu.memory_space<hbm>> -> memref<632x128xf32, #tpu.memory_space<hbm>>
      tpu.enqueue_dma source(%dma_start3A_10 : memref<632x128xf32, #tpu.memory_space<hbm>>) target(%dma_start3A_8 : memref<632x128xf32, #tpu.memory_space<vmem_shared>>) target_semaphore(%run_scoped3A : memref<!tpu.dma_semaphore, #tpu.memory_space<semaphore_mem>>)
      %dma_wait3A = arith.constant 0 : i32
      %dma_wait3A_11 = tpu.memref_slice %arg11[%mul3A_0, %dma_wait3A] : memref<10112x128xf32, #tpu.memory_space<vmem_shared>> -> memref<632x128xf32, #tpu.memory_space<vmem_shared>>
      %dma_wait3A_12 = arith.constant 0 : i32
      %dma_wait3A_13 = tpu.memref_slice %arg5[%mul3A_0, %dma_wait3A_12] : memref<10112x128xf32, #tpu.memory_space<hbm>> -> memref<632x128xf32, #tpu.memory_space<hbm>>
      tpu.wait_dma2 semaphore(%run_scoped3A : memref<!tpu.dma_semaphore, #tpu.memory_space<semaphore_mem>>) src(%dma_wait3A_13 : memref<632x128xf32, #tpu.memory_space<hbm>>) dst(%dma_wait3A_11 : memref<632x128xf32, #tpu.memory_space<vmem_shared>>)
      tpu.yield
    }) : () -> ()
    %barrier3A = arith.constant 0 : index
    tpu.barrier barrier_id(%barrier3A)
    %mul3A_1 = arith.constant 20 : i32
    %mul3A_2 = arith.muli %arg1, %mul3A_1 : i32
    %scan3A = arith.constant 0 : i32
    %scan3A_3 = arith.constant 20 : i32
    %scan3A_4 = arith.addi %scan3A, %scan3A_3 : i32
    %scan3A_5 = arith.constant 1 : i32
    scf.for %scan3A_8 = %scan3A to %scan3A_4 step %scan3A_5  : i32 {
      %add3A = arith.addi %mul3A_2, %scan3A_8 : i32
      "tpu.region"() ({
        %run_scoped3A_127 = tpu.sem_alloc : memref<!tpu.dma_semaphore, #tpu.memory_space<semaphore_mem>>
        %dma_start3A_128 = arith.constant 0 : i32
        %dma_start3A_129 = arith.constant 0 : i32
        %dma_start3A_130 = tpu.memref_slice %arg2[%add3A, %dma_start3A_128, %dma_start3A_129] : memref<320x8x128xi32, #tpu.memory_space<hbm>> -> memref<1x8x128xi32, #tpu.memory_space<hbm>>
        %dma_start3A_131 = tpu.memref_squeeze %dma_start3A_130 : memref<1x8x128xi32, #tpu.memory_space<hbm>> -> memref<8x128xi32, #tpu.memory_space<hbm>>
        %dma_start3A_132 = arith.constant 0 : i32
        %dma_start3A_133 = arith.constant 0 : i32
        %dma_start3A_134 = tpu.memref_slice %arg2[%add3A, %dma_start3A_132, %dma_start3A_133] : memref<320x8x128xi32, #tpu.memory_space<hbm>> -> memref<1x8x128xi32, #tpu.memory_space<hbm>>
        %dma_start3A_135 = tpu.memref_squeeze %dma_start3A_134 : memref<1x8x128xi32, #tpu.memory_space<hbm>> -> memref<8x128xi32, #tpu.memory_space<hbm>>
        tpu.enqueue_dma source(%dma_start3A_135 : memref<8x128xi32, #tpu.memory_space<hbm>>) target(%arg7 : memref<8x128xi32, #tpu.memory_space<vmem>>) target_semaphore(%run_scoped3A_127 : memref<!tpu.dma_semaphore, #tpu.memory_space<semaphore_mem>>)
        %dma_wait3A_136 = arith.constant 0 : i32
        %dma_wait3A_137 = arith.constant 0 : i32
        %dma_wait3A_138 = tpu.memref_slice %arg2[%add3A, %dma_wait3A_136, %dma_wait3A_137] : memref<320x8x128xi32, #tpu.memory_space<hbm>> -> memref<1x8x128xi32, #tpu.memory_space<hbm>>
        %dma_wait3A_139 = tpu.memref_squeeze %dma_wait3A_138 : memref<1x8x128xi32, #tpu.memory_space<hbm>> -> memref<8x128xi32, #tpu.memory_space<hbm>>
        %dma_wait3A_140 = arith.constant 0 : i32
        %dma_wait3A_141 = arith.constant 0 : i32
        %dma_wait3A_142 = tpu.memref_slice %arg2[%add3A, %dma_wait3A_140, %dma_wait3A_141] : memref<320x8x128xi32, #tpu.memory_space<hbm>> -> memref<1x8x128xi32, #tpu.memory_space<hbm>>
        %dma_wait3A_143 = tpu.memref_squeeze %dma_wait3A_142 : memref<1x8x128xi32, #tpu.memory_space<hbm>> -> memref<8x128xi32, #tpu.memory_space<hbm>>
        tpu.wait_dma2 semaphore(%run_scoped3A_127 : memref<!tpu.dma_semaphore, #tpu.memory_space<semaphore_mem>>) src(%dma_wait3A_143 : memref<8x128xi32, #tpu.memory_space<hbm>>) dst(%arg7 : memref<8x128xi32, #tpu.memory_space<vmem>>)
        tpu.yield
      }) : () -> ()
      %add3A_9 = arith.addi %mul3A_2, %scan3A_8 : i32
      "tpu.region"() ({
        %run_scoped3A_127 = tpu.sem_alloc : memref<!tpu.dma_semaphore, #tpu.memory_space<semaphore_mem>>
        %dma_start3A_128 = arith.constant 0 : i32
        %dma_start3A_129 = arith.constant 0 : i32
        %dma_start3A_130 = tpu.memref_slice %arg3[%add3A_9, %dma_start3A_128, %dma_start3A_129] : memref<320x8x128xi32, #tpu.memory_space<hbm>> -> memref<1x8x128xi32, #tpu.memory_space<hbm>>
        %dma_start3A_131 = tpu.memref_squeeze %dma_start3A_130 : memref<1x8x128xi32, #tpu.memory_space<hbm>> -> memref<8x128xi32, #tpu.memory_space<hbm>>
        %dma_start3A_132 = arith.constant 0 : i32
        %dma_start3A_133 = arith.constant 0 : i32
        %dma_start3A_134 = tpu.memref_slice %arg3[%add3A_9, %dma_start3A_132, %dma_start3A_133] : memref<320x8x128xi32, #tpu.memory_space<hbm>> -> memref<1x8x128xi32, #tpu.memory_space<hbm>>
        %dma_start3A_135 = tpu.memref_squeeze %dma_start3A_134 : memref<1x8x128xi32, #tpu.memory_space<hbm>> -> memref<8x128xi32, #tpu.memory_space<hbm>>
        tpu.enqueue_dma source(%dma_start3A_135 : memref<8x128xi32, #tpu.memory_space<hbm>>) target(%arg8 : memref<8x128xi32, #tpu.memory_space<vmem>>) target_semaphore(%run_scoped3A_127 : memref<!tpu.dma_semaphore, #tpu.memory_space<semaphore_mem>>)
        %dma_wait3A_136 = arith.constant 0 : i32
        %dma_wait3A_137 = arith.constant 0 : i32
        %dma_wait3A_138 = tpu.memref_slice %arg3[%add3A_9, %dma_wait3A_136, %dma_wait3A_137] : memref<320x8x128xi32, #tpu.memory_space<hbm>> -> memref<1x8x128xi32, #tpu.memory_space<hbm>>
        %dma_wait3A_139 = tpu.memref_squeeze %dma_wait3A_138 : memref<1x8x128xi32, #tpu.memory_space<hbm>> -> memref<8x128xi32, #tpu.memory_space<hbm>>
        %dma_wait3A_140 = arith.constant 0 : i32
        %dma_wait3A_141 = arith.constant 0 : i32
        %dma_wait3A_142 = tpu.memref_slice %arg3[%add3A_9, %dma_wait3A_140, %dma_wait3A_141] : memref<320x8x128xi32, #tpu.memory_space<hbm>> -> memref<1x8x128xi32, #tpu.memory_space<hbm>>
        %dma_wait3A_143 = tpu.memref_squeeze %dma_wait3A_142 : memref<1x8x128xi32, #tpu.memory_space<hbm>> -> memref<8x128xi32, #tpu.memory_space<hbm>>
        tpu.wait_dma2 semaphore(%run_scoped3A_127 : memref<!tpu.dma_semaphore, #tpu.memory_space<semaphore_mem>>) src(%dma_wait3A_143 : memref<8x128xi32, #tpu.memory_space<hbm>>) dst(%arg8 : memref<8x128xi32, #tpu.memory_space<vmem>>)
        tpu.yield
      }) : () -> ()
      %dma_start3A = arith.constant 0 : i32
      %dma_start3A_10 = arith.constant 0 : i32
      %dma_start3A_11 = tpu.memref_slice %arg7[%dma_start3A, %dma_start3A_10] : memref<8x128xi32, #tpu.memory_space<vmem>> -> memref<1x128xi32, #tpu.memory_space<vmem>>
      %dma_start3A_12 = tpu.memref_squeeze %dma_start3A_11 : memref<1x128xi32, #tpu.memory_space<vmem>> -> memref<128xi32, #tpu.memory_space<vmem>>
      %dma_start3A_13 = arith.constant 0 : i32
      %dma_start3A_14 = arith.constant 0 : i32
      %dma_start3A_15 = tpu.memref_slice %arg4[%dma_start3A_13, %dma_start3A_14] : memref<10112x128xf32, #tpu.memory_space<hbm>> -> memref<10112x128xf32, #tpu.memory_space<hbm>>
      tpu.enqueue_indirect_dma source(%dma_start3A_15 : memref<10112x128xf32, #tpu.memory_space<hbm>>) target(%arg9 : memref<128x128xf32, #tpu.memory_space<vmem>>) offsets(%dma_start3A_12 : memref<128xi32, #tpu.memory_space<vmem>>) semaphore(%arg12 : memref<!tpu.dma_semaphore, #tpu.memory_space<semaphore_mem>>)
      %dma_start3A_16 = arith.constant 1 : i32
      %dma_start3A_17 = arith.constant 0 : i32
      %dma_start3A_18 = tpu.memref_slice %arg7[%dma_start3A_16, %dma_start3A_17] : memref<8x128xi32, #tpu.memory_space<vmem>> -> memref<1x128xi32, #tpu.memory_space<vmem>>
      %dma_start3A_19 = tpu.memref_squeeze %dma_start3A_18 : memref<1x128xi32, #tpu.memory_space<vmem>> -> memref<128xi32, #tpu.memory_space<vmem>>
      %dma_start3A_20 = arith.constant 0 : i32
      %dma_start3A_21 = arith.constant 0 : i32
      %dma_start3A_22 = tpu.memref_slice %arg4[%dma_start3A_20, %dma_start3A_21] : memref<10112x128xf32, #tpu.memory_space<hbm>> -> memref<10112x128xf32, #tpu.memory_space<hbm>>
      tpu.enqueue_indirect_dma source(%dma_start3A_22 : memref<10112x128xf32, #tpu.memory_space<hbm>>) target(%arg10 : memref<128x128xf32, #tpu.memory_space<vmem>>) offsets(%dma_start3A_19 : memref<128xi32, #tpu.memory_space<vmem>>) semaphore(%arg13 : memref<!tpu.dma_semaphore, #tpu.memory_space<semaphore_mem>>)
      %dma_wait3A = arith.constant 0 : i32
      %dma_wait3A_23 = arith.constant 0 : i32
      %dma_wait3A_24 = tpu.memref_slice %arg7[%dma_wait3A, %dma_wait3A_23] : memref<8x128xi32, #tpu.memory_space<vmem>> -> memref<1x128xi32, #tpu.memory_space<vmem>>
      %dma_wait3A_25 = tpu.memref_squeeze %dma_wait3A_24 : memref<1x128xi32, #tpu.memory_space<vmem>> -> memref<128xi32, #tpu.memory_space<vmem>>
      %dma_wait3A_26 = arith.constant 0 : i32
      %dma_wait3A_27 = arith.constant 0 : i32
      %dma_wait3A_28 = tpu.memref_slice %arg4[%dma_wait3A_26, %dma_wait3A_27] : memref<10112x128xf32, #tpu.memory_space<hbm>> -> memref<10112x128xf32, #tpu.memory_space<hbm>>
      tpu.wait_indirect_dma semaphore(%arg12 : memref<!tpu.dma_semaphore, #tpu.memory_space<semaphore_mem>>) src(%dma_wait3A_28 : memref<10112x128xf32, #tpu.memory_space<hbm>>) dst(%arg9 : memref<128x128xf32, #tpu.memory_space<vmem>>)
      %run_scoped3A = arith.constant 0 : i32
      "tpu.region"() ({
        %run_scoped3A_127 = tpu.sem_alloc : memref<!tpu.dma_semaphore, #tpu.memory_space<semaphore_mem>>
        %dma_start3A_128 = arith.constant 0 : i32
        %dma_start3A_129 = tpu.memref_slice %arg8[%run_scoped3A, %dma_start3A_128] : memref<8x128xi32, #tpu.memory_space<vmem>> -> memref<1x128xi32, #tpu.memory_space<vmem>>
        %dma_start3A_130 = tpu.memref_squeeze %dma_start3A_129 : memref<1x128xi32, #tpu.memory_space<vmem>> -> memref<128xi32, #tpu.memory_space<vmem>>
        %dma_start3A_131 = arith.constant 0 : i32
        %dma_start3A_132 = arith.constant 0 : i32
        %dma_start3A_133 = tpu.memref_slice %arg11[%dma_start3A_131, %dma_start3A_132] : memref<10112x128xf32, #tpu.memory_space<vmem_shared>> -> memref<10112x128xf32, #tpu.memory_space<vmem_shared>>
        tpu.enqueue_indirect_dma source(%arg9 : memref<128x128xf32, #tpu.memory_space<vmem>>) target(%dma_start3A_133 : memref<10112x128xf32, #tpu.memory_space<vmem_shared>>) offsets(%dma_start3A_130 : memref<128xi32, #tpu.memory_space<vmem>>) semaphore(%run_scoped3A_127 : memref<!tpu.dma_semaphore, #tpu.memory_space<semaphore_mem>>) {add = true}
        %dma_wait3A_134 = arith.constant 0 : i32
        %dma_wait3A_135 = tpu.memref_slice %arg8[%run_scoped3A, %dma_wait3A_134] : memref<8x128xi32, #tpu.memory_space<vmem>> -> memref<1x128xi32, #tpu.memory_space<vmem>>
        %dma_wait3A_136 = tpu.memref_squeeze %dma_wait3A_135 : memref<1x128xi32, #tpu.memory_space<vmem>> -> memref<128xi32, #tpu.memory_space<vmem>>
        %dma_wait3A_137 = arith.constant 0 : i32
        %dma_wait3A_138 = arith.constant 0 : i32
        %dma_wait3A_139 = tpu.memref_slice %arg11[%dma_wait3A_137, %dma_wait3A_138] : memref<10112x128xf32, #tpu.memory_space<vmem_shared>> -> memref<10112x128xf32, #tpu.memory_space<vmem_shared>>
        tpu.wait_indirect_dma semaphore(%run_scoped3A_127 : memref<!tpu.dma_semaphore, #tpu.memory_space<semaphore_mem>>) src(%arg9 : memref<128x128xf32, #tpu.memory_space<vmem>>) dst(%dma_wait3A_139 : memref<10112x128xf32, #tpu.memory_space<vmem_shared>>)
        tpu.yield
      }) : () -> ()
      %dma_start3A_29 = arith.constant 2 : i32
      %dma_start3A_30 = arith.constant 0 : i32
      %dma_start3A_31 = tpu.memref_slice %arg7[%dma_start3A_29, %dma_start3A_30] : memref<8x128xi32, #tpu.memory_space<vmem>> -> memref<1x128xi32, #tpu.memory_space<vmem>>
      %dma_start3A_32 = tpu.memref_squeeze %dma_start3A_31 : memref<1x128xi32, #tpu.memory_space<vmem>> -> memref<128xi32, #tpu.memory_space<vmem>>
      %dma_start3A_33 = arith.constant 0 : i32
      %dma_start3A_34 = arith.constant 0 : i32
      %dma_start3A_35 = tpu.memref_slice %arg4[%dma_start3A_33, %dma_start3A_34] : memref<10112x128xf32, #tpu.memory_space<hbm>> -> memref<10112x128xf32, #tpu.memory_space<hbm>>
      tpu.enqueue_indirect_dma source(%dma_start3A_35 : memref<10112x128xf32, #tpu.memory_space<hbm>>) target(%arg9 : memref<128x128xf32, #tpu.memory_space<vmem>>) offsets(%dma_start3A_32 : memref<128xi32, #tpu.memory_space<vmem>>) semaphore(%arg12 : memref<!tpu.dma_semaphore, #tpu.memory_space<semaphore_mem>>)
      %dma_wait3A_36 = arith.constant 1 : i32
      %dma_wait3A_37 = arith.constant 0 : i32
      %dma_wait3A_38 = tpu.memref_slice %arg7[%dma_wait3A_36, %dma_wait3A_37] : memref<8x128xi32, #tpu.memory_space<vmem>> -> memref<1x128xi32, #tpu.memory_space<vmem>>
      %dma_wait3A_39 = tpu.memref_squeeze %dma_wait3A_38 : memref<1x128xi32, #tpu.memory_space<vmem>> -> memref<128xi32, #tpu.memory_space<vmem>>
      %dma_wait3A_40 = arith.constant 0 : i32
      %dma_wait3A_41 = arith.constant 0 : i32
      %dma_wait3A_42 = tpu.memref_slice %arg4[%dma_wait3A_40, %dma_wait3A_41] : memref<10112x128xf32, #tpu.memory_space<hbm>> -> memref<10112x128xf32, #tpu.memory_space<hbm>>
      tpu.wait_indirect_dma semaphore(%arg13 : memref<!tpu.dma_semaphore, #tpu.memory_space<semaphore_mem>>) src(%dma_wait3A_42 : memref<10112x128xf32, #tpu.memory_space<hbm>>) dst(%arg10 : memref<128x128xf32, #tpu.memory_space<vmem>>)
      %run_scoped3A_43 = arith.constant 1 : i32
      "tpu.region"() ({
        %run_scoped3A_127 = tpu.sem_alloc : memref<!tpu.dma_semaphore, #tpu.memory_space<semaphore_mem>>
        %dma_start3A_128 = arith.constant 0 : i32
        %dma_start3A_129 = tpu.memref_slice %arg8[%run_scoped3A_43, %dma_start3A_128] : memref<8x128xi32, #tpu.memory_space<vmem>> -> memref<1x128xi32, #tpu.memory_space<vmem>>
        %dma_start3A_130 = tpu.memref_squeeze %dma_start3A_129 : memref<1x128xi32, #tpu.memory_space<vmem>> -> memref<128xi32, #tpu.memory_space<vmem>>
        %dma_start3A_131 = arith.constant 0 : i32
        %dma_start3A_132 = arith.constant 0 : i32
        %dma_start3A_133 = tpu.memref_slice %arg11[%dma_start3A_131, %dma_start3A_132] : memref<10112x128xf32, #tpu.memory_space<vmem_shared>> -> memref<10112x128xf32, #tpu.memory_space<vmem_shared>>
        tpu.enqueue_indirect_dma source(%arg10 : memref<128x128xf32, #tpu.memory_space<vmem>>) target(%dma_start3A_133 : memref<10112x128xf32, #tpu.memory_space<vmem_shared>>) offsets(%dma_start3A_130 : memref<128xi32, #tpu.memory_space<vmem>>) semaphore(%run_scoped3A_127 : memref<!tpu.dma_semaphore, #tpu.memory_space<semaphore_mem>>) {add = true}
        %dma_wait3A_134 = arith.constant 0 : i32
        %dma_wait3A_135 = tpu.memref_slice %arg8[%run_scoped3A_43, %dma_wait3A_134] : memref<8x128xi32, #tpu.memory_space<vmem>> -> memref<1x128xi32, #tpu.memory_space<vmem>>
        %dma_wait3A_136 = tpu.memref_squeeze %dma_wait3A_135 : memref<1x128xi32, #tpu.memory_space<vmem>> -> memref<128xi32, #tpu.memory_space<vmem>>
        %dma_wait3A_137 = arith.constant 0 : i32
        %dma_wait3A_138 = arith.constant 0 : i32
        %dma_wait3A_139 = tpu.memref_slice %arg11[%dma_wait3A_137, %dma_wait3A_138] : memref<10112x128xf32, #tpu.memory_space<vmem_shared>> -> memref<10112x128xf32, #tpu.memory_space<vmem_shared>>
        tpu.wait_indirect_dma semaphore(%run_scoped3A_127 : memref<!tpu.dma_semaphore, #tpu.memory_space<semaphore_mem>>) src(%arg10 : memref<128x128xf32, #tpu.memory_space<vmem>>) dst(%dma_wait3A_139 : memref<10112x128xf32, #tpu.memory_space<vmem_shared>>)
        tpu.yield
      }) : () -> ()
      %dma_start3A_44 = arith.constant 3 : i32
      %dma_start3A_45 = arith.constant 0 : i32
      %dma_start3A_46 = tpu.memref_slice %arg7[%dma_start3A_44, %dma_start3A_45] : memref<8x128xi32, #tpu.memory_space<vmem>> -> memref<1x128xi32, #tpu.memory_space<vmem>>
      %dma_start3A_47 = tpu.memref_squeeze %dma_start3A_46 : memref<1x128xi32, #tpu.memory_space<vmem>> -> memref<128xi32, #tpu.memory_space<vmem>>
      %dma_start3A_48 = arith.constant 0 : i32
      %dma_start3A_49 = arith.constant 0 : i32
      %dma_start3A_50 = tpu.memref_slice %arg4[%dma_start3A_48, %dma_start3A_49] : memref<10112x128xf32, #tpu.memory_space<hbm>> -> memref<10112x128xf32, #tpu.memory_space<hbm>>
      tpu.enqueue_indirect_dma source(%dma_start3A_50 : memref<10112x128xf32, #tpu.memory_space<hbm>>) target(%arg10 : memref<128x128xf32, #tpu.memory_space<vmem>>) offsets(%dma_start3A_47 : memref<128xi32, #tpu.memory_space<vmem>>) semaphore(%arg13 : memref<!tpu.dma_semaphore, #tpu.memory_space<semaphore_mem>>)
      %dma_wait3A_51 = arith.constant 2 : i32
      %dma_wait3A_52 = arith.constant 0 : i32
      %dma_wait3A_53 = tpu.memref_slice %arg7[%dma_wait3A_51, %dma_wait3A_52] : memref<8x128xi32, #tpu.memory_space<vmem>> -> memref<1x128xi32, #tpu.memory_space<vmem>>
      %dma_wait3A_54 = tpu.memref_squeeze %dma_wait3A_53 : memref<1x128xi32, #tpu.memory_space<vmem>> -> memref<128xi32, #tpu.memory_space<vmem>>
      %dma_wait3A_55 = arith.constant 0 : i32
      %dma_wait3A_56 = arith.constant 0 : i32
      %dma_wait3A_57 = tpu.memref_slice %arg4[%dma_wait3A_55, %dma_wait3A_56] : memref<10112x128xf32, #tpu.memory_space<hbm>> -> memref<10112x128xf32, #tpu.memory_space<hbm>>
      tpu.wait_indirect_dma semaphore(%arg12 : memref<!tpu.dma_semaphore, #tpu.memory_space<semaphore_mem>>) src(%dma_wait3A_57 : memref<10112x128xf32, #tpu.memory_space<hbm>>) dst(%arg9 : memref<128x128xf32, #tpu.memory_space<vmem>>)
      %run_scoped3A_58 = arith.constant 2 : i32
      "tpu.region"() ({
        %run_scoped3A_127 = tpu.sem_alloc : memref<!tpu.dma_semaphore, #tpu.memory_space<semaphore_mem>>
        %dma_start3A_128 = arith.constant 0 : i32
        %dma_start3A_129 = tpu.memref_slice %arg8[%run_scoped3A_58, %dma_start3A_128] : memref<8x128xi32, #tpu.memory_space<vmem>> -> memref<1x128xi32, #tpu.memory_space<vmem>>
        %dma_start3A_130 = tpu.memref_squeeze %dma_start3A_129 : memref<1x128xi32, #tpu.memory_space<vmem>> -> memref<128xi32, #tpu.memory_space<vmem>>
        %dma_start3A_131 = arith.constant 0 : i32
        %dma_start3A_132 = arith.constant 0 : i32
        %dma_start3A_133 = tpu.memref_slice %arg11[%dma_start3A_131, %dma_start3A_132] : memref<10112x128xf32, #tpu.memory_space<vmem_shared>> -> memref<10112x128xf32, #tpu.memory_space<vmem_shared>>
        tpu.enqueue_indirect_dma source(%arg9 : memref<128x128xf32, #tpu.memory_space<vmem>>) target(%dma_start3A_133 : memref<10112x128xf32, #tpu.memory_space<vmem_shared>>) offsets(%dma_start3A_130 : memref<128xi32, #tpu.memory_space<vmem>>) semaphore(%run_scoped3A_127 : memref<!tpu.dma_semaphore, #tpu.memory_space<semaphore_mem>>) {add = true}
        %dma_wait3A_134 = arith.constant 0 : i32
        %dma_wait3A_135 = tpu.memref_slice %arg8[%run_scoped3A_58, %dma_wait3A_134] : memref<8x128xi32, #tpu.memory_space<vmem>> -> memref<1x128xi32, #tpu.memory_space<vmem>>
        %dma_wait3A_136 = tpu.memref_squeeze %dma_wait3A_135 : memref<1x128xi32, #tpu.memory_space<vmem>> -> memref<128xi32, #tpu.memory_space<vmem>>
        %dma_wait3A_137 = arith.constant 0 : i32
        %dma_wait3A_138 = arith.constant 0 : i32
        %dma_wait3A_139 = tpu.memref_slice %arg11[%dma_wait3A_137, %dma_wait3A_138] : memref<10112x128xf32, #tpu.memory_space<vmem_shared>> -> memref<10112x128xf32, #tpu.memory_space<vmem_shared>>
        tpu.wait_indirect_dma semaphore(%run_scoped3A_127 : memref<!tpu.dma_semaphore, #tpu.memory_space<semaphore_mem>>) src(%arg9 : memref<128x128xf32, #tpu.memory_space<vmem>>) dst(%dma_wait3A_139 : memref<10112x128xf32, #tpu.memory_space<vmem_shared>>)
        tpu.yield
      }) : () -> ()
      %dma_start3A_59 = arith.constant 4 : i32
      %dma_start3A_60 = arith.constant 0 : i32
      %dma_start3A_61 = tpu.memref_slice %arg7[%dma_start3A_59, %dma_start3A_60] : memref<8x128xi32, #tpu.memory_space<vmem>> -> memref<1x128xi32, #tpu.memory_space<vmem>>
      %dma_start3A_62 = tpu.memref_squeeze %dma_start3A_61 : memref<1x128xi32, #tpu.memory_space<vmem>> -> memref<128xi32, #tpu.memory_space<vmem>>
      %dma_start3A_63 = arith.constant 0 : i32
      %dma_start3A_64 = arith.constant 0 : i32
      %dma_start3A_65 = tpu.memref_slice %arg4[%dma_start3A_63, %dma_start3A_64] : memref<10112x128xf32, #tpu.memory_space<hbm>> -> memref<10112x128xf32, #tpu.memory_space<hbm>>
      tpu.enqueue_indirect_dma source(%dma_start3A_65 : memref<10112x128xf32, #tpu.memory_space<hbm>>) target(%arg9 : memref<128x128xf32, #tpu.memory_space<vmem>>) offsets(%dma_start3A_62 : memref<128xi32, #tpu.memory_space<vmem>>) semaphore(%arg12 : memref<!tpu.dma_semaphore, #tpu.memory_space<semaphore_mem>>)
      %dma_wait3A_66 = arith.constant 3 : i32
      %dma_wait3A_67 = arith.constant 0 : i32
      %dma_wait3A_68 = tpu.memref_slice %arg7[%dma_wait3A_66, %dma_wait3A_67] : memref<8x128xi32, #tpu.memory_space<vmem>> -> memref<1x128xi32, #tpu.memory_space<vmem>>
      %dma_wait3A_69 = tpu.memref_squeeze %dma_wait3A_68 : memref<1x128xi32, #tpu.memory_space<vmem>> -> memref<128xi32, #tpu.memory_space<vmem>>
      %dma_wait3A_70 = arith.constant 0 : i32
      %dma_wait3A_71 = arith.constant 0 : i32
      %dma_wait3A_72 = tpu.memref_slice %arg4[%dma_wait3A_70, %dma_wait3A_71] : memref<10112x128xf32, #tpu.memory_space<hbm>> -> memref<10112x128xf32, #tpu.memory_space<hbm>>
      tpu.wait_indirect_dma semaphore(%arg13 : memref<!tpu.dma_semaphore, #tpu.memory_space<semaphore_mem>>) src(%dma_wait3A_72 : memref<10112x128xf32, #tpu.memory_space<hbm>>) dst(%arg10 : memref<128x128xf32, #tpu.memory_space<vmem>>)
      %run_scoped3A_73 = arith.constant 3 : i32
      "tpu.region"() ({
        %run_scoped3A_127 = tpu.sem_alloc : memref<!tpu.dma_semaphore, #tpu.memory_space<semaphore_mem>>
        %dma_start3A_128 = arith.constant 0 : i32
        %dma_start3A_129 = tpu.memref_slice %arg8[%run_scoped3A_73, %dma_start3A_128] : memref<8x128xi32, #tpu.memory_space<vmem>> -> memref<1x128xi32, #tpu.memory_space<vmem>>
        %dma_start3A_130 = tpu.memref_squeeze %dma_start3A_129 : memref<1x128xi32, #tpu.memory_space<vmem>> -> memref<128xi32, #tpu.memory_space<vmem>>
        %dma_start3A_131 = arith.constant 0 : i32
        %dma_start3A_132 = arith.constant 0 : i32
        %dma_start3A_133 = tpu.memref_slice %arg11[%dma_start3A_131, %dma_start3A_132] : memref<10112x128xf32, #tpu.memory_space<vmem_shared>> -> memref<10112x128xf32, #tpu.memory_space<vmem_shared>>
        tpu.enqueue_indirect_dma source(%arg10 : memref<128x128xf32, #tpu.memory_space<vmem>>) target(%dma_start3A_133 : memref<10112x128xf32, #tpu.memory_space<vmem_shared>>) offsets(%dma_start3A_130 : memref<128xi32, #tpu.memory_space<vmem>>) semaphore(%run_scoped3A_127 : memref<!tpu.dma_semaphore, #tpu.memory_space<semaphore_mem>>) {add = true}
        %dma_wait3A_134 = arith.constant 0 : i32
        %dma_wait3A_135 = tpu.memref_slice %arg8[%run_scoped3A_73, %dma_wait3A_134] : memref<8x128xi32, #tpu.memory_space<vmem>> -> memref<1x128xi32, #tpu.memory_space<vmem>>
        %dma_wait3A_136 = tpu.memref_squeeze %dma_wait3A_135 : memref<1x128xi32, #tpu.memory_space<vmem>> -> memref<128xi32, #tpu.memory_space<vmem>>
        %dma_wait3A_137 = arith.constant 0 : i32
        %dma_wait3A_138 = arith.constant 0 : i32
        %dma_wait3A_139 = tpu.memref_slice %arg11[%dma_wait3A_137, %dma_wait3A_138] : memref<10112x128xf32, #tpu.memory_space<vmem_shared>> -> memref<10112x128xf32, #tpu.memory_space<vmem_shared>>
        tpu.wait_indirect_dma semaphore(%run_scoped3A_127 : memref<!tpu.dma_semaphore, #tpu.memory_space<semaphore_mem>>) src(%arg10 : memref<128x128xf32, #tpu.memory_space<vmem>>) dst(%dma_wait3A_139 : memref<10112x128xf32, #tpu.memory_space<vmem_shared>>)
        tpu.yield
      }) : () -> ()
      %dma_start3A_74 = arith.constant 5 : i32
      %dma_start3A_75 = arith.constant 0 : i32
      %dma_start3A_76 = tpu.memref_slice %arg7[%dma_start3A_74, %dma_start3A_75] : memref<8x128xi32, #tpu.memory_space<vmem>> -> memref<1x128xi32, #tpu.memory_space<vmem>>
      %dma_start3A_77 = tpu.memref_squeeze %dma_start3A_76 : memref<1x128xi32, #tpu.memory_space<vmem>> -> memref<128xi32, #tpu.memory_space<vmem>>
      %dma_start3A_78 = arith.constant 0 : i32
      %dma_start3A_79 = arith.constant 0 : i32
      %dma_start3A_80 = tpu.memref_slice %arg4[%dma_start3A_78, %dma_start3A_79] : memref<10112x128xf32, #tpu.memory_space<hbm>> -> memref<10112x128xf32, #tpu.memory_space<hbm>>
      tpu.enqueue_indirect_dma source(%dma_start3A_80 : memref<10112x128xf32, #tpu.memory_space<hbm>>) target(%arg10 : memref<128x128xf32, #tpu.memory_space<vmem>>) offsets(%dma_start3A_77 : memref<128xi32, #tpu.memory_space<vmem>>) semaphore(%arg13 : memref<!tpu.dma_semaphore, #tpu.memory_space<semaphore_mem>>)
      %dma_wait3A_81 = arith.constant 4 : i32
      %dma_wait3A_82 = arith.constant 0 : i32
      %dma_wait3A_83 = tpu.memref_slice %arg7[%dma_wait3A_81, %dma_wait3A_82] : memref<8x128xi32, #tpu.memory_space<vmem>> -> memref<1x128xi32, #tpu.memory_space<vmem>>
      %dma_wait3A_84 = tpu.memref_squeeze %dma_wait3A_83 : memref<1x128xi32, #tpu.memory_space<vmem>> -> memref<128xi32, #tpu.memory_space<vmem>>
      %dma_wait3A_85 = arith.constant 0 : i32
      %dma_wait3A_86 = arith.constant 0 : i32
      %dma_wait3A_87 = tpu.memref_slice %arg4[%dma_wait3A_85, %dma_wait3A_86] : memref<10112x128xf32, #tpu.memory_space<hbm>> -> memref<10112x128xf32, #tpu.memory_space<hbm>>
      tpu.wait_indirect_dma semaphore(%arg12 : memref<!tpu.dma_semaphore, #tpu.memory_space<semaphore_mem>>) src(%dma_wait3A_87 : memref<10112x128xf32, #tpu.memory_space<hbm>>) dst(%arg9 : memref<128x128xf32, #tpu.memory_space<vmem>>)
      %run_scoped3A_88 = arith.constant 4 : i32
      "tpu.region"() ({
        %run_scoped3A_127 = tpu.sem_alloc : memref<!tpu.dma_semaphore, #tpu.memory_space<semaphore_mem>>
        %dma_start3A_128 = arith.constant 0 : i32
        %dma_start3A_129 = tpu.memref_slice %arg8[%run_scoped3A_88, %dma_start3A_128] : memref<8x128xi32, #tpu.memory_space<vmem>> -> memref<1x128xi32, #tpu.memory_space<vmem>>
        %dma_start3A_130 = tpu.memref_squeeze %dma_start3A_129 : memref<1x128xi32, #tpu.memory_space<vmem>> -> memref<128xi32, #tpu.memory_space<vmem>>
        %dma_start3A_131 = arith.constant 0 : i32
        %dma_start3A_132 = arith.constant 0 : i32
        %dma_start3A_133 = tpu.memref_slice %arg11[%dma_start3A_131, %dma_start3A_132] : memref<10112x128xf32, #tpu.memory_space<vmem_shared>> -> memref<10112x128xf32, #tpu.memory_space<vmem_shared>>
        tpu.enqueue_indirect_dma source(%arg9 : memref<128x128xf32, #tpu.memory_space<vmem>>) target(%dma_start3A_133 : memref<10112x128xf32, #tpu.memory_space<vmem_shared>>) offsets(%dma_start3A_130 : memref<128xi32, #tpu.memory_space<vmem>>) semaphore(%run_scoped3A_127 : memref<!tpu.dma_semaphore, #tpu.memory_space<semaphore_mem>>) {add = true}
        %dma_wait3A_134 = arith.constant 0 : i32
        %dma_wait3A_135 = tpu.memref_slice %arg8[%run_scoped3A_88, %dma_wait3A_134] : memref<8x128xi32, #tpu.memory_space<vmem>> -> memref<1x128xi32, #tpu.memory_space<vmem>>
        %dma_wait3A_136 = tpu.memref_squeeze %dma_wait3A_135 : memref<1x128xi32, #tpu.memory_space<vmem>> -> memref<128xi32, #tpu.memory_space<vmem>>
        %dma_wait3A_137 = arith.constant 0 : i32
        %dma_wait3A_138 = arith.constant 0 : i32
        %dma_wait3A_139 = tpu.memref_slice %arg11[%dma_wait3A_137, %dma_wait3A_138] : memref<10112x128xf32, #tpu.memory_space<vmem_shared>> -> memref<10112x128xf32, #tpu.memory_space<vmem_shared>>
        tpu.wait_indirect_dma semaphore(%run_scoped3A_127 : memref<!tpu.dma_semaphore, #tpu.memory_space<semaphore_mem>>) src(%arg9 : memref<128x128xf32, #tpu.memory_space<vmem>>) dst(%dma_wait3A_139 : memref<10112x128xf32, #tpu.memory_space<vmem_shared>>)
        tpu.yield
      }) : () -> ()
      %dma_start3A_89 = arith.constant 6 : i32
      %dma_start3A_90 = arith.constant 0 : i32
      %dma_start3A_91 = tpu.memref_slice %arg7[%dma_start3A_89, %dma_start3A_90] : memref<8x128xi32, #tpu.memory_space<vmem>> -> memref<1x128xi32, #tpu.memory_space<vmem>>
      %dma_start3A_92 = tpu.memref_squeeze %dma_start3A_91 : memref<1x128xi32, #tpu.memory_space<vmem>> -> memref<128xi32, #tpu.memory_space<vmem>>
      %dma_start3A_93 = arith.constant 0 : i32
      %dma_start3A_94 = arith.constant 0 : i32
      %dma_start3A_95 = tpu.memref_slice %arg4[%dma_start3A_93, %dma_start3A_94] : memref<10112x128xf32, #tpu.memory_space<hbm>> -> memref<10112x128xf32, #tpu.memory_space<hbm>>
      tpu.enqueue_indirect_dma source(%dma_start3A_95 : memref<10112x128xf32, #tpu.memory_space<hbm>>) target(%arg9 : memref<128x128xf32, #tpu.memory_space<vmem>>) offsets(%dma_start3A_92 : memref<128xi32, #tpu.memory_space<vmem>>) semaphore(%arg12 : memref<!tpu.dma_semaphore, #tpu.memory_space<semaphore_mem>>)
      %dma_wait3A_96 = arith.constant 5 : i32
      %dma_wait3A_97 = arith.constant 0 : i32
      %dma_wait3A_98 = tpu.memref_slice %arg7[%dma_wait3A_96, %dma_wait3A_97] : memref<8x128xi32, #tpu.memory_space<vmem>> -> memref<1x128xi32, #tpu.memory_space<vmem>>
      %dma_wait3A_99 = tpu.memref_squeeze %dma_wait3A_98 : memref<1x128xi32, #tpu.memory_space<vmem>> -> memref<128xi32, #tpu.memory_space<vmem>>
      %dma_wait3A_100 = arith.constant 0 : i32
      %dma_wait3A_101 = arith.constant 0 : i32
      %dma_wait3A_102 = tpu.memref_slice %arg4[%dma_wait3A_100, %dma_wait3A_101] : memref<10112x128xf32, #tpu.memory_space<hbm>> -> memref<10112x128xf32, #tpu.memory_space<hbm>>
      tpu.wait_indirect_dma semaphore(%arg13 : memref<!tpu.dma_semaphore, #tpu.memory_space<semaphore_mem>>) src(%dma_wait3A_102 : memref<10112x128xf32, #tpu.memory_space<hbm>>) dst(%arg10 : memref<128x128xf32, #tpu.memory_space<vmem>>)
      %run_scoped3A_103 = arith.constant 5 : i32
      "tpu.region"() ({
        %run_scoped3A_127 = tpu.sem_alloc : memref<!tpu.dma_semaphore, #tpu.memory_space<semaphore_mem>>
        %dma_start3A_128 = arith.constant 0 : i32
        %dma_start3A_129 = tpu.memref_slice %arg8[%run_scoped3A_103, %dma_start3A_128] : memref<8x128xi32, #tpu.memory_space<vmem>> -> memref<1x128xi32, #tpu.memory_space<vmem>>
        %dma_start3A_130 = tpu.memref_squeeze %dma_start3A_129 : memref<1x128xi32, #tpu.memory_space<vmem>> -> memref<128xi32, #tpu.memory_space<vmem>>
        %dma_start3A_131 = arith.constant 0 : i32
        %dma_start3A_132 = arith.constant 0 : i32
        %dma_start3A_133 = tpu.memref_slice %arg11[%dma_start3A_131, %dma_start3A_132] : memref<10112x128xf32, #tpu.memory_space<vmem_shared>> -> memref<10112x128xf32, #tpu.memory_space<vmem_shared>>
        tpu.enqueue_indirect_dma source(%arg10 : memref<128x128xf32, #tpu.memory_space<vmem>>) target(%dma_start3A_133 : memref<10112x128xf32, #tpu.memory_space<vmem_shared>>) offsets(%dma_start3A_130 : memref<128xi32, #tpu.memory_space<vmem>>) semaphore(%run_scoped3A_127 : memref<!tpu.dma_semaphore, #tpu.memory_space<semaphore_mem>>) {add = true}
        %dma_wait3A_134 = arith.constant 0 : i32
        %dma_wait3A_135 = tpu.memref_slice %arg8[%run_scoped3A_103, %dma_wait3A_134] : memref<8x128xi32, #tpu.memory_space<vmem>> -> memref<1x128xi32, #tpu.memory_space<vmem>>
        %dma_wait3A_136 = tpu.memref_squeeze %dma_wait3A_135 : memref<1x128xi32, #tpu.memory_space<vmem>> -> memref<128xi32, #tpu.memory_space<vmem>>
        %dma_wait3A_137 = arith.constant 0 : i32
        %dma_wait3A_138 = arith.constant 0 : i32
        %dma_wait3A_139 = tpu.memref_slice %arg11[%dma_wait3A_137, %dma_wait3A_138] : memref<10112x128xf32, #tpu.memory_space<vmem_shared>> -> memref<10112x128xf32, #tpu.memory_space<vmem_shared>>
        tpu.wait_indirect_dma semaphore(%run_scoped3A_127 : memref<!tpu.dma_semaphore, #tpu.memory_space<semaphore_mem>>) src(%arg10 : memref<128x128xf32, #tpu.memory_space<vmem>>) dst(%dma_wait3A_139 : memref<10112x128xf32, #tpu.memory_space<vmem_shared>>)
        tpu.yield
      }) : () -> ()
      %dma_start3A_104 = arith.constant 7 : i32
      %dma_start3A_105 = arith.constant 0 : i32
      %dma_start3A_106 = tpu.memref_slice %arg7[%dma_start3A_104, %dma_start3A_105] : memref<8x128xi32, #tpu.memory_space<vmem>> -> memref<1x128xi32, #tpu.memory_space<vmem>>
      %dma_start3A_107 = tpu.memref_squeeze %dma_start3A_106 : memref<1x128xi32, #tpu.memory_space<vmem>> -> memref<128xi32, #tpu.memory_space<vmem>>
      %dma_start3A_108 = arith.constant 0 : i32
      %dma_start3A_109 = arith.constant 0 : i32
      %dma_start3A_110 = tpu.memref_slice %arg4[%dma_start3A_108, %dma_start3A_109] : memref<10112x128xf32, #tpu.memory_space<hbm>> -> memref<10112x128xf32, #tpu.memory_space<hbm>>
      tpu.enqueue_indirect_dma source(%dma_start3A_110 : memref<10112x128xf32, #tpu.memory_space<hbm>>) target(%arg10 : memref<128x128xf32, #tpu.memory_space<vmem>>) offsets(%dma_start3A_107 : memref<128xi32, #tpu.memory_space<vmem>>) semaphore(%arg13 : memref<!tpu.dma_semaphore, #tpu.memory_space<semaphore_mem>>)
      %dma_wait3A_111 = arith.constant 6 : i32
      %dma_wait3A_112 = arith.constant 0 : i32
      %dma_wait3A_113 = tpu.memref_slice %arg7[%dma_wait3A_111, %dma_wait3A_112] : memref<8x128xi32, #tpu.memory_space<vmem>> -> memref<1x128xi32, #tpu.memory_space<vmem>>
      %dma_wait3A_114 = tpu.memref_squeeze %dma_wait3A_113 : memref<1x128xi32, #tpu.memory_space<vmem>> -> memref<128xi32, #tpu.memory_space<vmem>>
      %dma_wait3A_115 = arith.constant 0 : i32
      %dma_wait3A_116 = arith.constant 0 : i32
      %dma_wait3A_117 = tpu.memref_slice %arg4[%dma_wait3A_115, %dma_wait3A_116] : memref<10112x128xf32, #tpu.memory_space<hbm>> -> memref<10112x128xf32, #tpu.memory_space<hbm>>
      tpu.wait_indirect_dma semaphore(%arg12 : memref<!tpu.dma_semaphore, #tpu.memory_space<semaphore_mem>>) src(%dma_wait3A_117 : memref<10112x128xf32, #tpu.memory_space<hbm>>) dst(%arg9 : memref<128x128xf32, #tpu.memory_space<vmem>>)
      %run_scoped3A_118 = arith.constant 6 : i32
      "tpu.region"() ({
        %run_scoped3A_127 = tpu.sem_alloc : memref<!tpu.dma_semaphore, #tpu.memory_space<semaphore_mem>>
        %dma_start3A_128 = arith.constant 0 : i32
        %dma_start3A_129 = tpu.memref_slice %arg8[%run_scoped3A_118, %dma_start3A_128] : memref<8x128xi32, #tpu.memory_space<vmem>> -> memref<1x128xi32, #tpu.memory_space<vmem>>
        %dma_start3A_130 = tpu.memref_squeeze %dma_start3A_129 : memref<1x128xi32, #tpu.memory_space<vmem>> -> memref<128xi32, #tpu.memory_space<vmem>>
        %dma_start3A_131 = arith.constant 0 : i32
        %dma_start3A_132 = arith.constant 0 : i32
        %dma_start3A_133 = tpu.memref_slice %arg11[%dma_start3A_131, %dma_start3A_132] : memref<10112x128xf32, #tpu.memory_space<vmem_shared>> -> memref<10112x128xf32, #tpu.memory_space<vmem_shared>>
        tpu.enqueue_indirect_dma source(%arg9 : memref<128x128xf32, #tpu.memory_space<vmem>>) target(%dma_start3A_133 : memref<10112x128xf32, #tpu.memory_space<vmem_shared>>) offsets(%dma_start3A_130 : memref<128xi32, #tpu.memory_space<vmem>>) semaphore(%run_scoped3A_127 : memref<!tpu.dma_semaphore, #tpu.memory_space<semaphore_mem>>) {add = true}
        %dma_wait3A_134 = arith.constant 0 : i32
        %dma_wait3A_135 = tpu.memref_slice %arg8[%run_scoped3A_118, %dma_wait3A_134] : memref<8x128xi32, #tpu.memory_space<vmem>> -> memref<1x128xi32, #tpu.memory_space<vmem>>
        %dma_wait3A_136 = tpu.memref_squeeze %dma_wait3A_135 : memref<1x128xi32, #tpu.memory_space<vmem>> -> memref<128xi32, #tpu.memory_space<vmem>>
        %dma_wait3A_137 = arith.constant 0 : i32
        %dma_wait3A_138 = arith.constant 0 : i32
        %dma_wait3A_139 = tpu.memref_slice %arg11[%dma_wait3A_137, %dma_wait3A_138] : memref<10112x128xf32, #tpu.memory_space<vmem_shared>> -> memref<10112x128xf32, #tpu.memory_space<vmem_shared>>
        tpu.wait_indirect_dma semaphore(%run_scoped3A_127 : memref<!tpu.dma_semaphore, #tpu.memory_space<semaphore_mem>>) src(%arg9 : memref<128x128xf32, #tpu.memory_space<vmem>>) dst(%dma_wait3A_139 : memref<10112x128xf32, #tpu.memory_space<vmem_shared>>)
        tpu.yield
      }) : () -> ()
      %dma_wait3A_119 = arith.constant 7 : i32
      %dma_wait3A_120 = arith.constant 0 : i32
      %dma_wait3A_121 = tpu.memref_slice %arg7[%dma_wait3A_119, %dma_wait3A_120] : memref<8x128xi32, #tpu.memory_space<vmem>> -> memref<1x128xi32, #tpu.memory_space<vmem>>
      %dma_wait3A_122 = tpu.memref_squeeze %dma_wait3A_121 : memref<1x128xi32, #tpu.memory_space<vmem>> -> memref<128xi32, #tpu.memory_space<vmem>>
      %dma_wait3A_123 = arith.constant 0 : i32
      %dma_wait3A_124 = arith.constant 0 : i32
      %dma_wait3A_125 = tpu.memref_slice %arg4[%dma_wait3A_123, %dma_wait3A_124] : memref<10112x128xf32, #tpu.memory_space<hbm>> -> memref<10112x128xf32, #tpu.memory_space<hbm>>
      tpu.wait_indirect_dma semaphore(%arg13 : memref<!tpu.dma_semaphore, #tpu.memory_space<semaphore_mem>>) src(%dma_wait3A_125 : memref<10112x128xf32, #tpu.memory_space<hbm>>) dst(%arg10 : memref<128x128xf32, #tpu.memory_space<vmem>>)
      %run_scoped3A_126 = arith.constant 7 : i32
      "tpu.region"() ({
        %run_scoped3A_127 = tpu.sem_alloc : memref<!tpu.dma_semaphore, #tpu.memory_space<semaphore_mem>>
        %dma_start3A_128 = arith.constant 0 : i32
        %dma_start3A_129 = tpu.memref_slice %arg8[%run_scoped3A_126, %dma_start3A_128] : memref<8x128xi32, #tpu.memory_space<vmem>> -> memref<1x128xi32, #tpu.memory_space<vmem>>
        %dma_start3A_130 = tpu.memref_squeeze %dma_start3A_129 : memref<1x128xi32, #tpu.memory_space<vmem>> -> memref<128xi32, #tpu.memory_space<vmem>>
        %dma_start3A_131 = arith.constant 0 : i32
        %dma_start3A_132 = arith.constant 0 : i32
        %dma_start3A_133 = tpu.memref_slice %arg11[%dma_start3A_131, %dma_start3A_132] : memref<10112x128xf32, #tpu.memory_space<vmem_shared>> -> memref<10112x128xf32, #tpu.memory_space<vmem_shared>>
        tpu.enqueue_indirect_dma source(%arg10 : memref<128x128xf32, #tpu.memory_space<vmem>>) target(%dma_start3A_133 : memref<10112x128xf32, #tpu.memory_space<vmem_shared>>) offsets(%dma_start3A_130 : memref<128xi32, #tpu.memory_space<vmem>>) semaphore(%run_scoped3A_127 : memref<!tpu.dma_semaphore, #tpu.memory_space<semaphore_mem>>) {add = true}
        %dma_wait3A_134 = arith.constant 0 : i32
        %dma_wait3A_135 = tpu.memref_slice %arg8[%run_scoped3A_126, %dma_wait3A_134] : memref<8x128xi32, #tpu.memory_space<vmem>> -> memref<1x128xi32, #tpu.memory_space<vmem>>
        %dma_wait3A_136 = tpu.memref_squeeze %dma_wait3A_135 : memref<1x128xi32, #tpu.memory_space<vmem>> -> memref<128xi32, #tpu.memory_space<vmem>>
        %dma_wait3A_137 = arith.constant 0 : i32
        %dma_wait3A_138 = arith.constant 0 : i32
        %dma_wait3A_139 = tpu.memref_slice %arg11[%dma_wait3A_137, %dma_wait3A_138] : memref<10112x128xf32, #tpu.memory_space<vmem_shared>> -> memref<10112x128xf32, #tpu.memory_space<vmem_shared>>
        tpu.wait_indirect_dma semaphore(%run_scoped3A_127 : memref<!tpu.dma_semaphore, #tpu.memory_space<semaphore_mem>>) src(%arg10 : memref<128x128xf32, #tpu.memory_space<vmem>>) dst(%dma_wait3A_139 : memref<10112x128xf32, #tpu.memory_space<vmem_shared>>)
        tpu.yield
      }) : () -> ()
    }
    %scan3A_6 = arith.constant 20 : i32
    %barrier3A_7 = arith.constant 0 : index
    tpu.barrier barrier_id(%barrier3A_7)
    "tpu.region"() ({
      %run_scoped3A = tpu.sem_alloc : memref<!tpu.dma_semaphore, #tpu.memory_space<semaphore_mem>>
      %dma_start3A = arith.constant 0 : i32
      %dma_start3A_8 = tpu.memref_slice %arg6[%mul3A_0, %dma_start3A] : memref<10112x128xf32, #tpu.memory_space<hbm>> -> memref<632x128xf32, #tpu.memory_space<hbm>>
      %dma_start3A_9 = arith.constant 0 : i32
      %dma_start3A_10 = tpu.memref_slice %arg11[%mul3A_0, %dma_start3A_9] : memref<10112x128xf32, #tpu.memory_space<vmem_shared>> -> memref<632x128xf32, #tpu.memory_space<vmem_shared>>
      tpu.enqueue_dma source(%dma_start3A_10 : memref<632x128xf32, #tpu.memory_space<vmem_shared>>) target(%dma_start3A_8 : memref<632x128xf32, #tpu.memory_space<hbm>>) target_semaphore(%run_scoped3A : memref<!tpu.dma_semaphore, #tpu.memory_space<semaphore_mem>>)
      %dma_wait3A = arith.constant 0 : i32
      %dma_wait3A_11 = tpu.memref_slice %arg6[%mul3A_0, %dma_wait3A] : memref<10112x128xf32, #tpu.memory_space<hbm>> -> memref<632x128xf32, #tpu.memory_space<hbm>>
      %dma_wait3A_12 = arith.constant 0 : i32
      %dma_wait3A_13 = tpu.memref_slice %arg11[%mul3A_0, %dma_wait3A_12] : memref<10112x128xf32, #tpu.memory_space<vmem_shared>> -> memref<632x128xf32, #tpu.memory_space<vmem_shared>>
      tpu.wait_dma2 semaphore(%run_scoped3A : memref<!tpu.dma_semaphore, #tpu.memory_space<semaphore_mem>>) src(%dma_wait3A_13 : memref<632x128xf32, #tpu.memory_space<vmem_shared>>) dst(%dma_wait3A_11 : memref<632x128xf32, #tpu.memory_space<hbm>>)
      tpu.yield
    }) : () -> ()
    return
  }
}

#map = affine_map<(d0, d1) -> (0, 0, 0)>
#map1 = affine_map<(d0, d1) -> (0, 0)>
module attributes {stable_mosaic.version = 14 : i64} {
  func.func @_hist_body(%arg0: i32, %arg1: i32, %arg2: memref<320x8x128xi32, #tpu.memory_space<hbm>>, %arg3: memref<128x8xf32, #tpu.memory_space<hbm>>, %arg4: memref<10112x8xf32, #tpu.memory_space<hbm>>, %arg5: memref<10112x8xf32, #tpu.memory_space<hbm>>, %arg6: memref<8x128xi32, #tpu.memory_space<vmem>>, %arg7: memref<128x8xf32, #tpu.memory_space<vmem>>, %arg8: memref<10112x8xf32, #tpu.memory_space<vmem_shared>>) attributes {dimension_semantics = [#tpu.dimension_semantics<core_parallel>, #tpu.dimension_semantics<subcore_parallel>], iteration_bounds = array<i64: 1, 16>, scalar_prefetch = 0 : i64, scratch_operands = 3 : i64, tpu.core_type = #tpu.core_type<sc_vector_subcore>, window_params = [{transform_indices = #map}, {transform_indices = #map1}, {transform_indices = #map1}, {transform_indices = #map1}]} {
    %mul3A = arith.constant 632 : i32
    %mul3A_0 = arith.muli %arg1, %mul3A : i32
    "tpu.region"() ({
      %run_scoped3A = tpu.sem_alloc : memref<!tpu.dma_semaphore, #tpu.memory_space<semaphore_mem>>
      %dma_start3A = arith.constant 0 : i32
      %dma_start3A_8 = tpu.memref_slice %arg8[%mul3A_0, %dma_start3A] : memref<10112x8xf32, #tpu.memory_space<vmem_shared>> -> memref<632x8xf32, #tpu.memory_space<vmem_shared>>
      %dma_start3A_9 = arith.constant 0 : i32
      %dma_start3A_10 = tpu.memref_slice %arg4[%mul3A_0, %dma_start3A_9] : memref<10112x8xf32, #tpu.memory_space<hbm>> -> memref<632x8xf32, #tpu.memory_space<hbm>>
      tpu.enqueue_dma source(%dma_start3A_10 : memref<632x8xf32, #tpu.memory_space<hbm>>) target(%dma_start3A_8 : memref<632x8xf32, #tpu.memory_space<vmem_shared>>) target_semaphore(%run_scoped3A : memref<!tpu.dma_semaphore, #tpu.memory_space<semaphore_mem>>)
      %dma_wait3A = arith.constant 0 : i32
      %dma_wait3A_11 = tpu.memref_slice %arg8[%mul3A_0, %dma_wait3A] : memref<10112x8xf32, #tpu.memory_space<vmem_shared>> -> memref<632x8xf32, #tpu.memory_space<vmem_shared>>
      %dma_wait3A_12 = arith.constant 0 : i32
      %dma_wait3A_13 = tpu.memref_slice %arg4[%mul3A_0, %dma_wait3A_12] : memref<10112x8xf32, #tpu.memory_space<hbm>> -> memref<632x8xf32, #tpu.memory_space<hbm>>
      tpu.wait_dma2 semaphore(%run_scoped3A : memref<!tpu.dma_semaphore, #tpu.memory_space<semaphore_mem>>) src(%dma_wait3A_13 : memref<632x8xf32, #tpu.memory_space<hbm>>) dst(%dma_wait3A_11 : memref<632x8xf32, #tpu.memory_space<vmem_shared>>)
      tpu.yield
    }) : () -> ()
    "tpu.region"() ({
      %run_scoped3A = tpu.sem_alloc : memref<!tpu.dma_semaphore, #tpu.memory_space<semaphore_mem>>
      tpu.enqueue_dma source(%arg3 : memref<128x8xf32, #tpu.memory_space<hbm>>) target(%arg7 : memref<128x8xf32, #tpu.memory_space<vmem>>) target_semaphore(%run_scoped3A : memref<!tpu.dma_semaphore, #tpu.memory_space<semaphore_mem>>)
      tpu.wait_dma2 semaphore(%run_scoped3A : memref<!tpu.dma_semaphore, #tpu.memory_space<semaphore_mem>>) src(%arg3 : memref<128x8xf32, #tpu.memory_space<hbm>>) dst(%arg7 : memref<128x8xf32, #tpu.memory_space<vmem>>)
      tpu.yield
    }) : () -> ()
    %barrier3A = arith.constant 0 : index
    tpu.barrier barrier_id(%barrier3A)
    %mul3A_1 = arith.constant 20 : i32
    %mul3A_2 = arith.muli %arg1, %mul3A_1 : i32
    %scan3A = arith.constant 0 : i32
    %scan3A_3 = arith.constant 20 : i32
    %scan3A_4 = arith.addi %scan3A, %scan3A_3 : i32
    %scan3A_5 = arith.constant 1 : i32
    scf.for %scan3A_8 = %scan3A to %scan3A_4 step %scan3A_5  : i32 {
      %add3A = arith.addi %mul3A_2, %scan3A_8 : i32
      "tpu.region"() ({
        %run_scoped3A_16 = tpu.sem_alloc : memref<!tpu.dma_semaphore, #tpu.memory_space<semaphore_mem>>
        %dma_start3A = arith.constant 0 : i32
        %dma_start3A_17 = arith.constant 0 : i32
        %dma_start3A_18 = tpu.memref_slice %arg2[%add3A, %dma_start3A, %dma_start3A_17] : memref<320x8x128xi32, #tpu.memory_space<hbm>> -> memref<1x8x128xi32, #tpu.memory_space<hbm>>
        %dma_start3A_19 = tpu.memref_squeeze %dma_start3A_18 : memref<1x8x128xi32, #tpu.memory_space<hbm>> -> memref<8x128xi32, #tpu.memory_space<hbm>>
        %dma_start3A_20 = arith.constant 0 : i32
        %dma_start3A_21 = arith.constant 0 : i32
        %dma_start3A_22 = tpu.memref_slice %arg2[%add3A, %dma_start3A_20, %dma_start3A_21] : memref<320x8x128xi32, #tpu.memory_space<hbm>> -> memref<1x8x128xi32, #tpu.memory_space<hbm>>
        %dma_start3A_23 = tpu.memref_squeeze %dma_start3A_22 : memref<1x8x128xi32, #tpu.memory_space<hbm>> -> memref<8x128xi32, #tpu.memory_space<hbm>>
        tpu.enqueue_dma source(%dma_start3A_23 : memref<8x128xi32, #tpu.memory_space<hbm>>) target(%arg6 : memref<8x128xi32, #tpu.memory_space<vmem>>) target_semaphore(%run_scoped3A_16 : memref<!tpu.dma_semaphore, #tpu.memory_space<semaphore_mem>>)
        %dma_wait3A = arith.constant 0 : i32
        %dma_wait3A_24 = arith.constant 0 : i32
        %dma_wait3A_25 = tpu.memref_slice %arg2[%add3A, %dma_wait3A, %dma_wait3A_24] : memref<320x8x128xi32, #tpu.memory_space<hbm>> -> memref<1x8x128xi32, #tpu.memory_space<hbm>>
        %dma_wait3A_26 = tpu.memref_squeeze %dma_wait3A_25 : memref<1x8x128xi32, #tpu.memory_space<hbm>> -> memref<8x128xi32, #tpu.memory_space<hbm>>
        %dma_wait3A_27 = arith.constant 0 : i32
        %dma_wait3A_28 = arith.constant 0 : i32
        %dma_wait3A_29 = tpu.memref_slice %arg2[%add3A, %dma_wait3A_27, %dma_wait3A_28] : memref<320x8x128xi32, #tpu.memory_space<hbm>> -> memref<1x8x128xi32, #tpu.memory_space<hbm>>
        %dma_wait3A_30 = tpu.memref_squeeze %dma_wait3A_29 : memref<1x8x128xi32, #tpu.memory_space<hbm>> -> memref<8x128xi32, #tpu.memory_space<hbm>>
        tpu.wait_dma2 semaphore(%run_scoped3A_16 : memref<!tpu.dma_semaphore, #tpu.memory_space<semaphore_mem>>) src(%dma_wait3A_30 : memref<8x128xi32, #tpu.memory_space<hbm>>) dst(%arg6 : memref<8x128xi32, #tpu.memory_space<vmem>>)
        tpu.yield
      }) : () -> ()
      %run_scoped3A = arith.constant 0 : i32
      "tpu.region"() ({
        %run_scoped3A_16 = tpu.sem_alloc : memref<!tpu.dma_semaphore, #tpu.memory_space<semaphore_mem>>
        %dma_start3A = arith.constant 0 : i32
        %dma_start3A_17 = tpu.memref_slice %arg6[%run_scoped3A, %dma_start3A] : memref<8x128xi32, #tpu.memory_space<vmem>> -> memref<1x128xi32, #tpu.memory_space<vmem>>
        %dma_start3A_18 = tpu.memref_squeeze %dma_start3A_17 : memref<1x128xi32, #tpu.memory_space<vmem>> -> memref<128xi32, #tpu.memory_space<vmem>>
        %dma_start3A_19 = arith.constant 0 : i32
        %dma_start3A_20 = arith.constant 0 : i32
        %dma_start3A_21 = tpu.memref_slice %arg8[%dma_start3A_19, %dma_start3A_20] : memref<10112x8xf32, #tpu.memory_space<vmem_shared>> -> memref<10112x8xf32, #tpu.memory_space<vmem_shared>>
        tpu.enqueue_indirect_dma source(%arg7 : memref<128x8xf32, #tpu.memory_space<vmem>>) target(%dma_start3A_21 : memref<10112x8xf32, #tpu.memory_space<vmem_shared>>) offsets(%dma_start3A_18 : memref<128xi32, #tpu.memory_space<vmem>>) semaphore(%run_scoped3A_16 : memref<!tpu.dma_semaphore, #tpu.memory_space<semaphore_mem>>) {add = true}
        %dma_wait3A = arith.constant 0 : i32
        %dma_wait3A_22 = tpu.memref_slice %arg6[%run_scoped3A, %dma_wait3A] : memref<8x128xi32, #tpu.memory_space<vmem>> -> memref<1x128xi32, #tpu.memory_space<vmem>>
        %dma_wait3A_23 = tpu.memref_squeeze %dma_wait3A_22 : memref<1x128xi32, #tpu.memory_space<vmem>> -> memref<128xi32, #tpu.memory_space<vmem>>
        %dma_wait3A_24 = arith.constant 0 : i32
        %dma_wait3A_25 = arith.constant 0 : i32
        %dma_wait3A_26 = tpu.memref_slice %arg8[%dma_wait3A_24, %dma_wait3A_25] : memref<10112x8xf32, #tpu.memory_space<vmem_shared>> -> memref<10112x8xf32, #tpu.memory_space<vmem_shared>>
        tpu.wait_indirect_dma semaphore(%run_scoped3A_16 : memref<!tpu.dma_semaphore, #tpu.memory_space<semaphore_mem>>) src(%arg7 : memref<128x8xf32, #tpu.memory_space<vmem>>) dst(%dma_wait3A_26 : memref<10112x8xf32, #tpu.memory_space<vmem_shared>>)
        tpu.yield
      }) : () -> ()
      %run_scoped3A_9 = arith.constant 1 : i32
      "tpu.region"() ({
        %run_scoped3A_16 = tpu.sem_alloc : memref<!tpu.dma_semaphore, #tpu.memory_space<semaphore_mem>>
        %dma_start3A = arith.constant 0 : i32
        %dma_start3A_17 = tpu.memref_slice %arg6[%run_scoped3A_9, %dma_start3A] : memref<8x128xi32, #tpu.memory_space<vmem>> -> memref<1x128xi32, #tpu.memory_space<vmem>>
        %dma_start3A_18 = tpu.memref_squeeze %dma_start3A_17 : memref<1x128xi32, #tpu.memory_space<vmem>> -> memref<128xi32, #tpu.memory_space<vmem>>
        %dma_start3A_19 = arith.constant 0 : i32
        %dma_start3A_20 = arith.constant 0 : i32
        %dma_start3A_21 = tpu.memref_slice %arg8[%dma_start3A_19, %dma_start3A_20] : memref<10112x8xf32, #tpu.memory_space<vmem_shared>> -> memref<10112x8xf32, #tpu.memory_space<vmem_shared>>
        tpu.enqueue_indirect_dma source(%arg7 : memref<128x8xf32, #tpu.memory_space<vmem>>) target(%dma_start3A_21 : memref<10112x8xf32, #tpu.memory_space<vmem_shared>>) offsets(%dma_start3A_18 : memref<128xi32, #tpu.memory_space<vmem>>) semaphore(%run_scoped3A_16 : memref<!tpu.dma_semaphore, #tpu.memory_space<semaphore_mem>>) {add = true}
        %dma_wait3A = arith.constant 0 : i32
        %dma_wait3A_22 = tpu.memref_slice %arg6[%run_scoped3A_9, %dma_wait3A] : memref<8x128xi32, #tpu.memory_space<vmem>> -> memref<1x128xi32, #tpu.memory_space<vmem>>
        %dma_wait3A_23 = tpu.memref_squeeze %dma_wait3A_22 : memref<1x128xi32, #tpu.memory_space<vmem>> -> memref<128xi32, #tpu.memory_space<vmem>>
        %dma_wait3A_24 = arith.constant 0 : i32
        %dma_wait3A_25 = arith.constant 0 : i32
        %dma_wait3A_26 = tpu.memref_slice %arg8[%dma_wait3A_24, %dma_wait3A_25] : memref<10112x8xf32, #tpu.memory_space<vmem_shared>> -> memref<10112x8xf32, #tpu.memory_space<vmem_shared>>
        tpu.wait_indirect_dma semaphore(%run_scoped3A_16 : memref<!tpu.dma_semaphore, #tpu.memory_space<semaphore_mem>>) src(%arg7 : memref<128x8xf32, #tpu.memory_space<vmem>>) dst(%dma_wait3A_26 : memref<10112x8xf32, #tpu.memory_space<vmem_shared>>)
        tpu.yield
      }) : () -> ()
      %run_scoped3A_10 = arith.constant 2 : i32
      "tpu.region"() ({
        %run_scoped3A_16 = tpu.sem_alloc : memref<!tpu.dma_semaphore, #tpu.memory_space<semaphore_mem>>
        %dma_start3A = arith.constant 0 : i32
        %dma_start3A_17 = tpu.memref_slice %arg6[%run_scoped3A_10, %dma_start3A] : memref<8x128xi32, #tpu.memory_space<vmem>> -> memref<1x128xi32, #tpu.memory_space<vmem>>
        %dma_start3A_18 = tpu.memref_squeeze %dma_start3A_17 : memref<1x128xi32, #tpu.memory_space<vmem>> -> memref<128xi32, #tpu.memory_space<vmem>>
        %dma_start3A_19 = arith.constant 0 : i32
        %dma_start3A_20 = arith.constant 0 : i32
        %dma_start3A_21 = tpu.memref_slice %arg8[%dma_start3A_19, %dma_start3A_20] : memref<10112x8xf32, #tpu.memory_space<vmem_shared>> -> memref<10112x8xf32, #tpu.memory_space<vmem_shared>>
        tpu.enqueue_indirect_dma source(%arg7 : memref<128x8xf32, #tpu.memory_space<vmem>>) target(%dma_start3A_21 : memref<10112x8xf32, #tpu.memory_space<vmem_shared>>) offsets(%dma_start3A_18 : memref<128xi32, #tpu.memory_space<vmem>>) semaphore(%run_scoped3A_16 : memref<!tpu.dma_semaphore, #tpu.memory_space<semaphore_mem>>) {add = true}
        %dma_wait3A = arith.constant 0 : i32
        %dma_wait3A_22 = tpu.memref_slice %arg6[%run_scoped3A_10, %dma_wait3A] : memref<8x128xi32, #tpu.memory_space<vmem>> -> memref<1x128xi32, #tpu.memory_space<vmem>>
        %dma_wait3A_23 = tpu.memref_squeeze %dma_wait3A_22 : memref<1x128xi32, #tpu.memory_space<vmem>> -> memref<128xi32, #tpu.memory_space<vmem>>
        %dma_wait3A_24 = arith.constant 0 : i32
        %dma_wait3A_25 = arith.constant 0 : i32
        %dma_wait3A_26 = tpu.memref_slice %arg8[%dma_wait3A_24, %dma_wait3A_25] : memref<10112x8xf32, #tpu.memory_space<vmem_shared>> -> memref<10112x8xf32, #tpu.memory_space<vmem_shared>>
        tpu.wait_indirect_dma semaphore(%run_scoped3A_16 : memref<!tpu.dma_semaphore, #tpu.memory_space<semaphore_mem>>) src(%arg7 : memref<128x8xf32, #tpu.memory_space<vmem>>) dst(%dma_wait3A_26 : memref<10112x8xf32, #tpu.memory_space<vmem_shared>>)
        tpu.yield
      }) : () -> ()
      %run_scoped3A_11 = arith.constant 3 : i32
      "tpu.region"() ({
        %run_scoped3A_16 = tpu.sem_alloc : memref<!tpu.dma_semaphore, #tpu.memory_space<semaphore_mem>>
        %dma_start3A = arith.constant 0 : i32
        %dma_start3A_17 = tpu.memref_slice %arg6[%run_scoped3A_11, %dma_start3A] : memref<8x128xi32, #tpu.memory_space<vmem>> -> memref<1x128xi32, #tpu.memory_space<vmem>>
        %dma_start3A_18 = tpu.memref_squeeze %dma_start3A_17 : memref<1x128xi32, #tpu.memory_space<vmem>> -> memref<128xi32, #tpu.memory_space<vmem>>
        %dma_start3A_19 = arith.constant 0 : i32
        %dma_start3A_20 = arith.constant 0 : i32
        %dma_start3A_21 = tpu.memref_slice %arg8[%dma_start3A_19, %dma_start3A_20] : memref<10112x8xf32, #tpu.memory_space<vmem_shared>> -> memref<10112x8xf32, #tpu.memory_space<vmem_shared>>
        tpu.enqueue_indirect_dma source(%arg7 : memref<128x8xf32, #tpu.memory_space<vmem>>) target(%dma_start3A_21 : memref<10112x8xf32, #tpu.memory_space<vmem_shared>>) offsets(%dma_start3A_18 : memref<128xi32, #tpu.memory_space<vmem>>) semaphore(%run_scoped3A_16 : memref<!tpu.dma_semaphore, #tpu.memory_space<semaphore_mem>>) {add = true}
        %dma_wait3A = arith.constant 0 : i32
        %dma_wait3A_22 = tpu.memref_slice %arg6[%run_scoped3A_11, %dma_wait3A] : memref<8x128xi32, #tpu.memory_space<vmem>> -> memref<1x128xi32, #tpu.memory_space<vmem>>
        %dma_wait3A_23 = tpu.memref_squeeze %dma_wait3A_22 : memref<1x128xi32, #tpu.memory_space<vmem>> -> memref<128xi32, #tpu.memory_space<vmem>>
        %dma_wait3A_24 = arith.constant 0 : i32
        %dma_wait3A_25 = arith.constant 0 : i32
        %dma_wait3A_26 = tpu.memref_slice %arg8[%dma_wait3A_24, %dma_wait3A_25] : memref<10112x8xf32, #tpu.memory_space<vmem_shared>> -> memref<10112x8xf32, #tpu.memory_space<vmem_shared>>
        tpu.wait_indirect_dma semaphore(%run_scoped3A_16 : memref<!tpu.dma_semaphore, #tpu.memory_space<semaphore_mem>>) src(%arg7 : memref<128x8xf32, #tpu.memory_space<vmem>>) dst(%dma_wait3A_26 : memref<10112x8xf32, #tpu.memory_space<vmem_shared>>)
        tpu.yield
      }) : () -> ()
      %run_scoped3A_12 = arith.constant 4 : i32
      "tpu.region"() ({
        %run_scoped3A_16 = tpu.sem_alloc : memref<!tpu.dma_semaphore, #tpu.memory_space<semaphore_mem>>
        %dma_start3A = arith.constant 0 : i32
        %dma_start3A_17 = tpu.memref_slice %arg6[%run_scoped3A_12, %dma_start3A] : memref<8x128xi32, #tpu.memory_space<vmem>> -> memref<1x128xi32, #tpu.memory_space<vmem>>
        %dma_start3A_18 = tpu.memref_squeeze %dma_start3A_17 : memref<1x128xi32, #tpu.memory_space<vmem>> -> memref<128xi32, #tpu.memory_space<vmem>>
        %dma_start3A_19 = arith.constant 0 : i32
        %dma_start3A_20 = arith.constant 0 : i32
        %dma_start3A_21 = tpu.memref_slice %arg8[%dma_start3A_19, %dma_start3A_20] : memref<10112x8xf32, #tpu.memory_space<vmem_shared>> -> memref<10112x8xf32, #tpu.memory_space<vmem_shared>>
        tpu.enqueue_indirect_dma source(%arg7 : memref<128x8xf32, #tpu.memory_space<vmem>>) target(%dma_start3A_21 : memref<10112x8xf32, #tpu.memory_space<vmem_shared>>) offsets(%dma_start3A_18 : memref<128xi32, #tpu.memory_space<vmem>>) semaphore(%run_scoped3A_16 : memref<!tpu.dma_semaphore, #tpu.memory_space<semaphore_mem>>) {add = true}
        %dma_wait3A = arith.constant 0 : i32
        %dma_wait3A_22 = tpu.memref_slice %arg6[%run_scoped3A_12, %dma_wait3A] : memref<8x128xi32, #tpu.memory_space<vmem>> -> memref<1x128xi32, #tpu.memory_space<vmem>>
        %dma_wait3A_23 = tpu.memref_squeeze %dma_wait3A_22 : memref<1x128xi32, #tpu.memory_space<vmem>> -> memref<128xi32, #tpu.memory_space<vmem>>
        %dma_wait3A_24 = arith.constant 0 : i32
        %dma_wait3A_25 = arith.constant 0 : i32
        %dma_wait3A_26 = tpu.memref_slice %arg8[%dma_wait3A_24, %dma_wait3A_25] : memref<10112x8xf32, #tpu.memory_space<vmem_shared>> -> memref<10112x8xf32, #tpu.memory_space<vmem_shared>>
        tpu.wait_indirect_dma semaphore(%run_scoped3A_16 : memref<!tpu.dma_semaphore, #tpu.memory_space<semaphore_mem>>) src(%arg7 : memref<128x8xf32, #tpu.memory_space<vmem>>) dst(%dma_wait3A_26 : memref<10112x8xf32, #tpu.memory_space<vmem_shared>>)
        tpu.yield
      }) : () -> ()
      %run_scoped3A_13 = arith.constant 5 : i32
      "tpu.region"() ({
        %run_scoped3A_16 = tpu.sem_alloc : memref<!tpu.dma_semaphore, #tpu.memory_space<semaphore_mem>>
        %dma_start3A = arith.constant 0 : i32
        %dma_start3A_17 = tpu.memref_slice %arg6[%run_scoped3A_13, %dma_start3A] : memref<8x128xi32, #tpu.memory_space<vmem>> -> memref<1x128xi32, #tpu.memory_space<vmem>>
        %dma_start3A_18 = tpu.memref_squeeze %dma_start3A_17 : memref<1x128xi32, #tpu.memory_space<vmem>> -> memref<128xi32, #tpu.memory_space<vmem>>
        %dma_start3A_19 = arith.constant 0 : i32
        %dma_start3A_20 = arith.constant 0 : i32
        %dma_start3A_21 = tpu.memref_slice %arg8[%dma_start3A_19, %dma_start3A_20] : memref<10112x8xf32, #tpu.memory_space<vmem_shared>> -> memref<10112x8xf32, #tpu.memory_space<vmem_shared>>
        tpu.enqueue_indirect_dma source(%arg7 : memref<128x8xf32, #tpu.memory_space<vmem>>) target(%dma_start3A_21 : memref<10112x8xf32, #tpu.memory_space<vmem_shared>>) offsets(%dma_start3A_18 : memref<128xi32, #tpu.memory_space<vmem>>) semaphore(%run_scoped3A_16 : memref<!tpu.dma_semaphore, #tpu.memory_space<semaphore_mem>>) {add = true}
        %dma_wait3A = arith.constant 0 : i32
        %dma_wait3A_22 = tpu.memref_slice %arg6[%run_scoped3A_13, %dma_wait3A] : memref<8x128xi32, #tpu.memory_space<vmem>> -> memref<1x128xi32, #tpu.memory_space<vmem>>
        %dma_wait3A_23 = tpu.memref_squeeze %dma_wait3A_22 : memref<1x128xi32, #tpu.memory_space<vmem>> -> memref<128xi32, #tpu.memory_space<vmem>>
        %dma_wait3A_24 = arith.constant 0 : i32
        %dma_wait3A_25 = arith.constant 0 : i32
        %dma_wait3A_26 = tpu.memref_slice %arg8[%dma_wait3A_24, %dma_wait3A_25] : memref<10112x8xf32, #tpu.memory_space<vmem_shared>> -> memref<10112x8xf32, #tpu.memory_space<vmem_shared>>
        tpu.wait_indirect_dma semaphore(%run_scoped3A_16 : memref<!tpu.dma_semaphore, #tpu.memory_space<semaphore_mem>>) src(%arg7 : memref<128x8xf32, #tpu.memory_space<vmem>>) dst(%dma_wait3A_26 : memref<10112x8xf32, #tpu.memory_space<vmem_shared>>)
        tpu.yield
      }) : () -> ()
      %run_scoped3A_14 = arith.constant 6 : i32
      "tpu.region"() ({
        %run_scoped3A_16 = tpu.sem_alloc : memref<!tpu.dma_semaphore, #tpu.memory_space<semaphore_mem>>
        %dma_start3A = arith.constant 0 : i32
        %dma_start3A_17 = tpu.memref_slice %arg6[%run_scoped3A_14, %dma_start3A] : memref<8x128xi32, #tpu.memory_space<vmem>> -> memref<1x128xi32, #tpu.memory_space<vmem>>
        %dma_start3A_18 = tpu.memref_squeeze %dma_start3A_17 : memref<1x128xi32, #tpu.memory_space<vmem>> -> memref<128xi32, #tpu.memory_space<vmem>>
        %dma_start3A_19 = arith.constant 0 : i32
        %dma_start3A_20 = arith.constant 0 : i32
        %dma_start3A_21 = tpu.memref_slice %arg8[%dma_start3A_19, %dma_start3A_20] : memref<10112x8xf32, #tpu.memory_space<vmem_shared>> -> memref<10112x8xf32, #tpu.memory_space<vmem_shared>>
        tpu.enqueue_indirect_dma source(%arg7 : memref<128x8xf32, #tpu.memory_space<vmem>>) target(%dma_start3A_21 : memref<10112x8xf32, #tpu.memory_space<vmem_shared>>) offsets(%dma_start3A_18 : memref<128xi32, #tpu.memory_space<vmem>>) semaphore(%run_scoped3A_16 : memref<!tpu.dma_semaphore, #tpu.memory_space<semaphore_mem>>) {add = true}
        %dma_wait3A = arith.constant 0 : i32
        %dma_wait3A_22 = tpu.memref_slice %arg6[%run_scoped3A_14, %dma_wait3A] : memref<8x128xi32, #tpu.memory_space<vmem>> -> memref<1x128xi32, #tpu.memory_space<vmem>>
        %dma_wait3A_23 = tpu.memref_squeeze %dma_wait3A_22 : memref<1x128xi32, #tpu.memory_space<vmem>> -> memref<128xi32, #tpu.memory_space<vmem>>
        %dma_wait3A_24 = arith.constant 0 : i32
        %dma_wait3A_25 = arith.constant 0 : i32
        %dma_wait3A_26 = tpu.memref_slice %arg8[%dma_wait3A_24, %dma_wait3A_25] : memref<10112x8xf32, #tpu.memory_space<vmem_shared>> -> memref<10112x8xf32, #tpu.memory_space<vmem_shared>>
        tpu.wait_indirect_dma semaphore(%run_scoped3A_16 : memref<!tpu.dma_semaphore, #tpu.memory_space<semaphore_mem>>) src(%arg7 : memref<128x8xf32, #tpu.memory_space<vmem>>) dst(%dma_wait3A_26 : memref<10112x8xf32, #tpu.memory_space<vmem_shared>>)
        tpu.yield
      }) : () -> ()
      %run_scoped3A_15 = arith.constant 7 : i32
      "tpu.region"() ({
        %run_scoped3A_16 = tpu.sem_alloc : memref<!tpu.dma_semaphore, #tpu.memory_space<semaphore_mem>>
        %dma_start3A = arith.constant 0 : i32
        %dma_start3A_17 = tpu.memref_slice %arg6[%run_scoped3A_15, %dma_start3A] : memref<8x128xi32, #tpu.memory_space<vmem>> -> memref<1x128xi32, #tpu.memory_space<vmem>>
        %dma_start3A_18 = tpu.memref_squeeze %dma_start3A_17 : memref<1x128xi32, #tpu.memory_space<vmem>> -> memref<128xi32, #tpu.memory_space<vmem>>
        %dma_start3A_19 = arith.constant 0 : i32
        %dma_start3A_20 = arith.constant 0 : i32
        %dma_start3A_21 = tpu.memref_slice %arg8[%dma_start3A_19, %dma_start3A_20] : memref<10112x8xf32, #tpu.memory_space<vmem_shared>> -> memref<10112x8xf32, #tpu.memory_space<vmem_shared>>
        tpu.enqueue_indirect_dma source(%arg7 : memref<128x8xf32, #tpu.memory_space<vmem>>) target(%dma_start3A_21 : memref<10112x8xf32, #tpu.memory_space<vmem_shared>>) offsets(%dma_start3A_18 : memref<128xi32, #tpu.memory_space<vmem>>) semaphore(%run_scoped3A_16 : memref<!tpu.dma_semaphore, #tpu.memory_space<semaphore_mem>>) {add = true}
        %dma_wait3A = arith.constant 0 : i32
        %dma_wait3A_22 = tpu.memref_slice %arg6[%run_scoped3A_15, %dma_wait3A] : memref<8x128xi32, #tpu.memory_space<vmem>> -> memref<1x128xi32, #tpu.memory_space<vmem>>
        %dma_wait3A_23 = tpu.memref_squeeze %dma_wait3A_22 : memref<1x128xi32, #tpu.memory_space<vmem>> -> memref<128xi32, #tpu.memory_space<vmem>>
        %dma_wait3A_24 = arith.constant 0 : i32
        %dma_wait3A_25 = arith.constant 0 : i32
        %dma_wait3A_26 = tpu.memref_slice %arg8[%dma_wait3A_24, %dma_wait3A_25] : memref<10112x8xf32, #tpu.memory_space<vmem_shared>> -> memref<10112x8xf32, #tpu.memory_space<vmem_shared>>
        tpu.wait_indirect_dma semaphore(%run_scoped3A_16 : memref<!tpu.dma_semaphore, #tpu.memory_space<semaphore_mem>>) src(%arg7 : memref<128x8xf32, #tpu.memory_space<vmem>>) dst(%dma_wait3A_26 : memref<10112x8xf32, #tpu.memory_space<vmem_shared>>)
        tpu.yield
      }) : () -> ()
    }
    %scan3A_6 = arith.constant 20 : i32
    %barrier3A_7 = arith.constant 0 : index
    tpu.barrier barrier_id(%barrier3A_7)
    "tpu.region"() ({
      %run_scoped3A = tpu.sem_alloc : memref<!tpu.dma_semaphore, #tpu.memory_space<semaphore_mem>>
      %dma_start3A = arith.constant 0 : i32
      %dma_start3A_8 = tpu.memref_slice %arg5[%mul3A_0, %dma_start3A] : memref<10112x8xf32, #tpu.memory_space<hbm>> -> memref<632x8xf32, #tpu.memory_space<hbm>>
      %dma_start3A_9 = arith.constant 0 : i32
      %dma_start3A_10 = tpu.memref_slice %arg8[%mul3A_0, %dma_start3A_9] : memref<10112x8xf32, #tpu.memory_space<vmem_shared>> -> memref<632x8xf32, #tpu.memory_space<vmem_shared>>
      tpu.enqueue_dma source(%dma_start3A_10 : memref<632x8xf32, #tpu.memory_space<vmem_shared>>) target(%dma_start3A_8 : memref<632x8xf32, #tpu.memory_space<hbm>>) target_semaphore(%run_scoped3A : memref<!tpu.dma_semaphore, #tpu.memory_space<semaphore_mem>>)
      %dma_wait3A = arith.constant 0 : i32
      %dma_wait3A_11 = tpu.memref_slice %arg5[%mul3A_0, %dma_wait3A] : memref<10112x8xf32, #tpu.memory_space<hbm>> -> memref<632x8xf32, #tpu.memory_space<hbm>>
      %dma_wait3A_12 = arith.constant 0 : i32
      %dma_wait3A_13 = tpu.memref_slice %arg8[%mul3A_0, %dma_wait3A_12] : memref<10112x8xf32, #tpu.memory_space<vmem_shared>> -> memref<632x8xf32, #tpu.memory_space<vmem_shared>>
      tpu.wait_dma2 semaphore(%run_scoped3A : memref<!tpu.dma_semaphore, #tpu.memory_space<semaphore_mem>>) src(%dma_wait3A_13 : memref<632x8xf32, #tpu.memory_space<vmem_shared>>) dst(%dma_wait3A_11 : memref<632x8xf32, #tpu.memory_space<hbm>>)
      tpu.yield
    }) : () -> ()
    return
  }
}

module attributes {stable_mosaic.version = 14 : i64} {
  func.func @_mm_body(%arg0: memref<10112x128xf32, #tpu.memory_space<vmem>>, %arg1: memref<128x128xf32, #tpu.memory_space<vmem>>, %arg2: memref<10112x8xf32, #tpu.memory_space<vmem>>, %arg3: memref<10112x128xf32, #tpu.memory_space<vmem>>, %arg4: memref<10112x128xf32, #tpu.memory_space<vmem>>) attributes {dimension_semantics = [], scalar_prefetch = 0 : i64, scratch_operands = 0 : i64, tpu.core_type = #tpu.core_type<tc>} {
    %get3A = arith.constant 0 : index
    %get3A_0 = arith.constant 0 : index
    %get3A_1 = vector.load %arg2[%get3A, %get3A_0] : memref<10112x8xf32, #tpu.memory_space<vmem>>, vector<10112x1xf32>
    %add3A = arith.constant 1.000000e+00 : f32
    %add3A_2 = vector.broadcast %add3A : f32 to vector<10112x1xf32>
    %add3A_3 = arith.addf %get3A_1, %add3A_2 : vector<10112x1xf32>
    %sqrt3A = math.sqrt %add3A_3 : vector<10112x1xf32>
    %div3A = arith.constant 1.000000e+00 : f32
    %div3A_4 = vector.broadcast %div3A : f32 to vector<10112x1xf32>
    %div3A_5 = arith.divf %div3A_4, %sqrt3A : vector<10112x1xf32>
    %get3A_6 = arith.constant 0 : index
    %get3A_7 = arith.constant 0 : index
    %get3A_8 = vector.load %arg0[%get3A_6, %get3A_7] : memref<10112x128xf32, #tpu.memory_space<vmem>>, vector<10112x128xf32>
    %get3A_9 = arith.constant 0 : index
    %get3A_10 = arith.constant 0 : index
    %get3A_11 = vector.load %arg1[%get3A_9, %get3A_10] : memref<128x128xf32, #tpu.memory_space<vmem>>, vector<128x128xf32>
    %dot_general3A = arith.constant dense<0.000000e+00> : vector<10112x128xf32>
    %dot_general3A_12 = tpu.matmul %get3A_8, %get3A_11, %dot_general3A {dimension_numbers = #tpu.dot_dimension_numbers<[1], [0], [0], [1], [0, 0, 1, 1], [], []>, transpose_lhs_hint = false} : vector<10112x128xf32>, vector<128x128xf32>, vector<10112x128xf32> -> vector<10112x128xf32>
    %mul3A = vector.broadcast %div3A_5 : vector<10112x1xf32> to vector<10112x128xf32>
    %mul3A_13 = arith.mulf %dot_general3A_12, %mul3A : vector<10112x128xf32>
    %swap3A = arith.constant 0 : index
    %swap3A_14 = arith.constant 0 : index
    %swap3A_15 = vector.load %arg3[%swap3A, %swap3A_14] : memref<10112x128xf32, #tpu.memory_space<vmem>>, vector<10112x128xf32>
    tpu.vector_store %arg3[%swap3A, %swap3A_14], %mul3A_13 {strides = array<i32>} : memref<10112x128xf32, #tpu.memory_space<vmem>>, vector<10112x128xf32>,
    %broadcast_in_dim3A = vector.shape_cast %div3A_5 : vector<10112x1xf32> to vector<10112x1xf32>
    %broadcast_in_dim3A_16 = vector.broadcast %broadcast_in_dim3A : vector<10112x1xf32> to vector<10112x128xf32>
    %swap3A_17 = arith.constant 0 : index
    %swap3A_18 = arith.constant 0 : index
    %swap3A_19 = vector.load %arg4[%swap3A_17, %swap3A_18] : memref<10112x128xf32, #tpu.memory_space<vmem>>, vector<10112x128xf32>
    tpu.vector_store %arg4[%swap3A_17, %swap3A_18], %broadcast_in_dim3A_16 {strides = array<i32>} : memref<10112x128xf32, #tpu.memory_space<vmem>>, vector<10112x128xf32>,
    return
  }
}

module attributes {stable_mosaic.version = 14 : i64} {
  func.func @_fin_body(%arg0: memref<10112x128xf32, #tpu.memory_space<vmem>>, %arg1: memref<10112x128xf32, #tpu.memory_space<vmem>>, %arg2: memref<10112x128xf32, #tpu.memory_space<vmem>>, %arg3: memref<1x128xf32, #tpu.memory_space<vmem>>, %arg4: memref<1x128xf32, #tpu.memory_space<vmem>>, %arg5: memref<10000x128xf32, #tpu.memory_space<vmem>>) attributes {dimension_semantics = [], scalar_prefetch = 0 : i64, scratch_operands = 0 : i64, tpu.core_type = #tpu.core_type<tc>} {
    %get3A = arith.constant 0 : index
    %get3A_0 = arith.constant 0 : index
    %get3A_1 = vector.load %arg2[%get3A, %get3A_0] : memref<10112x128xf32, #tpu.memory_space<vmem>>, vector<10112x128xf32>
    %get3A_2 = arith.constant 0 : index
    %get3A_3 = arith.constant 0 : index
    %get3A_4 = vector.load %arg0[%get3A_2, %get3A_3] : memref<10112x128xf32, #tpu.memory_space<vmem>>, vector<10112x128xf32>
    %get3A_5 = arith.constant 0 : index
    %get3A_6 = arith.constant 0 : index
    %get3A_7 = vector.load %arg1[%get3A_5, %get3A_6] : memref<10112x128xf32, #tpu.memory_space<vmem>>, vector<10112x128xf32>
    %add3A = arith.addf %get3A_4, %get3A_7 : vector<10112x128xf32>
    %mul3A = arith.mulf %get3A_1, %add3A : vector<10112x128xf32>
    %get3A_8 = arith.constant 0 : index
    %get3A_9 = arith.constant 0 : index
    %get3A_10 = vector.load %arg3[%get3A_8, %get3A_9] : memref<1x128xf32, #tpu.memory_space<vmem>>, vector<1x128xf32>
    %add3A_11 = vector.broadcast %get3A_10 : vector<1x128xf32> to vector<10112x128xf32>
    %add3A_12 = arith.addf %mul3A, %add3A_11 : vector<10112x128xf32>
    %gt3A = arith.constant 0.000000e+00 : f32
    %gt3A_13 = vector.broadcast %gt3A : f32 to vector<10112x128xf32>
    %gt3A_14 = arith.cmpf ogt, %add3A_12, %gt3A_13 : vector<10112x128xf32>
    %get3A_15 = arith.constant 0 : index
    %get3A_16 = arith.constant 0 : index
    %get3A_17 = vector.load %arg4[%get3A_15, %get3A_16] : memref<1x128xf32, #tpu.memory_space<vmem>>, vector<1x128xf32>
    %mul3A_18 = vector.broadcast %get3A_17 : vector<1x128xf32> to vector<10112x128xf32>
    %mul3A_19 = arith.mulf %mul3A_18, %add3A_12 : vector<10112x128xf32>
    %select_n3A = arith.select %gt3A_14, %add3A_12, %mul3A_19 : vector<10112x128xi1>, vector<10112x128xf32>
    %slice3A = vector.extract_strided_slice %select_n3A {offsets = [0, 0], sizes = [10000, 128], strides = [1, 1]} : vector<10112x128xf32> to vector<10000x128xf32>
    %swap3A = arith.constant 0 : index
    %swap3A_20 = arith.constant 0 : index
    %swap3A_21 = vector.load %arg5[%swap3A, %swap3A_20] : memref<10000x128xf32, #tpu.memory_space<vmem>>, vector<10000x128xf32>
    tpu.vector_store %arg5[%swap3A, %swap3A_20], %slice3A {strides = array<i32>} : memref<10000x128xf32, #tpu.memory_space<vmem>>, vector<10000x128xf32>,
    return
  }
}

</mosaic_0001>

<sc_bundles>
// kernel: kernel.6.cloned.1.call-start
scs
__scs_entry_jumppad:
0x0: {  	(pc) =	sbr.rel $0x88, $3  }
0x1: {  	(tag) =	ssettag $0x0;
	lr =	simm.s32 $0x1  }
0x2: {  	[smem:$0x3F9C] =	sst lr;
	_ =	strace $0xD0000000  }
0x3: {  	_ = 	snop  }
0x4: {  	_ = 	snop  }
0x5: {  	_ = 	snop  }
0x6: {  	_ = 	snop  }
0x7: {  	_ = 	snop  }
__scs_overlays_trampoline_lowered:
0x8: {  	[smem:$0x3FAB] =	sst s0  }
0x9: {  	[smem:$0x3FAC] =	sst s1  }
0xa: {  	[smem:$0x3FAD] =	sst s2  }
0xb: {  	[smem:$0x3FAE] =	sst s3  }
0xc: {  	[smem:$0x3FAF] =	sst s4  }
0xd: {  	[smem:$0x3FB0] =	sst s5  }
0xe: {  	[smem:$0x3FB1] =	sst s6  }
0xf: {  	[smem:$0x3FB2] =	sst s7  }
0x10: {  	[smem:$0x3FB3] =	sst s8  }
0x11: {  	[smem:$0x3FB4] =	sst s9;
	s0 =	simm.s32 @!p0 $0x0  }
0x12: {  	s1 =	sld [smem:$0x3F9A];
	s0 =	simm.s32 @p0 $0x1  }
0x13: {  	[smem:$0x3FB5] =	sst s0;
	s0 =	simm.s32 @!p1 $0x0  }
0x14: {  	s2 =	sld [smem:$0x3F99];
	s0 =	simm.s32 @p1 $0x1  }
0x15: {  	[smem:$0x3FB6] =	sst s0;
	s0 =	simm.s32 @!p2 $0x0  }
0x16: {  	s3 =	sld [smem:$0x3FDB];
	s0 =	simm.s32 @p2 $0x1  }
0x17: {  	s4 =	simm.s32 $0x1BF5;
	[smem:$0x3FB8] =	sst s0  }
0x18: {  	s0 =	sld [smem:$0x3F9B];
	_ =	swait.ge [sflag:s4], $0x0  }
0x19: {  	s7 =	sld [smem:$0x3F9C]  }
0x1a: {  	s8 =	sadd.s32 $0xFFFFE003, lr  }
0x1b: {  	s9 =	sadd.s32 $0xFFFFFEF7, lr;
	s5 =	simm.s32 $0xFFFFFFFF;
	p2 =	slt.u32 s8, $0xFFFFF086  }
0x1c: {  	p1 =	slt.u32 s9, $0xF7A;
	s5 =	simm.s32 @!p2 $0x0  }
0x1d: {  	s5 =	simm.s32 @p1 $0x1;
	p0 =	seq.s32 s7, s2  }
0x1e: {  	s7 =	smul.u32 @!p0 $0xF7A, s2;
	p2 =	seq.s32 @!p0 s5, $0x0  }
0x1f: {  	s9 =	smul.u32 $0xF7A, s1;
	s8 =	simm.s32 @!p0 $0x1BF5;
	p2 =	por !p2, p0  }
0x20: {  	[sflag:s8] =	ssyncset.s32 @!p0 $0xFFFFF086;
	s6 =	sadd.s32 @!p0 s3, s7;
	s7 =	simm.s32 @!p0 $0x108  }
0x21: {  	s3 =	sadd.s32 s3, s9;
	s6 =	sadd.s32 @!p0 $0x88, s6;
	s7 =	simm.s32 @p2 $0x1082  }
0x22: {  	[simem:s7], [sflag:s8] =	dma.local @!p0 [hbm:s6], $0xF7A  }
0x23: {  	s9 =	sor.u32 $0xD0000000, s2;
	s6 =	simm.s32 $0x108;
	_ =	swait.ge @!p0 [sflag:s8], $0x0  }
0x24: {  	s3 =	sadd.s32 $0x88, s3;
	s6 =	simm.s32 @!p1 $0x1082;
	[sflag:s4] =	ssyncset.s32 $0xFFFFF086  }
0x25: {  	[simem:s6], [sflag:s4] =	dma.local [hbm:s3], $0xF7A  }
0x26: {  	[smem:$0x3F9C] =	sst s1;
	(tag) =	ssettag s2;
	_ =	strace s9  }
0x27: {  	s1 =	sld [smem:$0x3FAC]  }
0x28: {  	s2 =	sld [smem:$0x3FAD]  }
0x29: {  	s4 =	sld [smem:$0x3FAF]  }
0x2a: {  	p0 =	seq.s32 s5, $0x0;
	s5 =	sld [smem:$0x3FB0]  }
0x2b: {  	s6 =	sld [smem:$0x3FB1]  }
0x2c: {  	s7 =	sld [smem:$0x3FB2]  }
0x2d: {  	s3 =	simm.s32 $0x108;
	s8 =	sld [smem:$0x3FB3]  }
0x2e: {  	s3 =	simm.s32 @!p0 $0x1082;
	s9 =	sld [smem:$0x3FB4]  }
0x2f: {  	lr =	sadd.s32 s0, s3;
	s0 =	sld [smem:$0x3FAB]  }
0x30: {  	s3 =	sld [smem:$0x3FAE]  }
0x31: {  	[smem:$0x3FB7] =	sst s10  }
0x32: {  	s10 =	sld [smem:$0x3FB5];
	_ =	sdelay $0x3  }
0x33: {  	p0 =	seq.s32 s10, $0x1;
	s10 =	sld [smem:$0x3FB7];
	_ =	sdelay $0x3  }
0x34: {  	[smem:$0x3FB7] =	sst s10  }
0x35: {  	s10 =	sld [smem:$0x3FB6];
	_ =	sdelay $0x3  }
0x36: {  	p1 =	seq.s32 s10, $0x1;
	s10 =	sld [smem:$0x3FB7];
	_ =	sdelay $0x3  }
0x37: {  	[smem:$0x3FB7] =	sst s10  }
0x38: {  	s10 =	sld [smem:$0x3FB8]  }
0x39: {  	_ = 	snop;
	(pc) =	sbr.ind lr, $3  }
0x3a: {  	_ = 	snop  }
0x3b: {  	_ = 	snop  }
0x3c: {  	p2 =	seq.s32 s10, $0x1;
	s10 =	sld [smem:$0x3FB7]  }
0x3d: {  	_ =	shalt  }
0x3e: {  	_ =	shalt  }
0x3f: {  	_ =	shalt  }
0x40: {  	_ =	shalt  }
0x41: {  	_ =	shalt  }
0x42: {  	_ =	shalt  }
0x43: {  	_ =	shalt  }
0x44: {  	_ =	shalt  }
0x45: {  	_ =	shalt  }
0x46: {  	_ =	shalt  }
0x47: {  	_ =	shalt  }
0x48: {  	_ =	shalt  }
0x49: {  	_ =	shalt  }
0x4a: {  	_ =	shalt  }
0x4b: {  	_ =	shalt  }
0x4c: {  	_ =	shalt  }
0x4d: {  	_ =	shalt  }
0x4e: {  	_ =	shalt  }
0x4f: {  	_ =	shalt  }
0x50: {  	_ =	shalt  }
0x51: {  	_ =	shalt  }
0x52: {  	_ =	shalt  }
0x53: {  	_ =	shalt  }
0x54: {  	_ =	shalt  }
0x55: {  	_ =	shalt  }
0x56: {  	_ =	shalt  }
0x57: {  	_ =	shalt  }
0x58: {  	_ =	shalt  }
0x59: {  	_ =	shalt  }
0x5a: {  	_ =	shalt  }
0x5b: {  	_ =	shalt  }
0x5c: {  	_ =	shalt  }
0x5d: {  	_ =	shalt  }
0x5e: {  	_ =	shalt  }
0x5f: {  	_ =	shalt  }
0x60: {  	_ =	shalt  }
0x61: {  	_ =	shalt  }
0x62: {  	_ =	shalt  }
0x63: {  	_ =	shalt  }
0x64: {  	_ =	shalt  }
0x65: {  	_ =	shalt  }
0x66: {  	_ =	shalt  }
0x67: {  	_ =	shalt  }
0x68: {  	_ =	shalt  }
0x69: {  	_ =	shalt  }
0x6a: {  	_ =	shalt  }
0x6b: {  	_ =	shalt  }
0x6c: {  	_ =	shalt  }
0x6d: {  	_ =	shalt  }
0x6e: {  	_ =	shalt  }
0x6f: {  	_ =	shalt  }
0x70: {  	_ =	shalt  }
0x71: {  	_ =	shalt  }
0x72: {  	_ =	shalt  }
0x73: {  	_ =	shalt  }
0x74: {  	_ =	shalt  }
0x75: {  	_ =	shalt  }
0x76: {  	_ =	shalt  }
0x77: {  	_ =	shalt  }
0x78: {  	_ =	shalt  }
0x79: {  	_ =	shalt  }
0x7a: {  	_ =	shalt  }
0x7b: {  	_ =	shalt  }
0x7c: {  	_ =	shalt  }
0x7d: {  	_ =	shalt  }
0x7e: {  	_ =	shalt  }
0x7f: {  	_ =	shalt  }
0x80: {  	_ =	shalt  }
0x81: {  	_ =	shalt  }
0x82: {  	_ =	shalt  }
0x83: {  	_ =	shalt  }
0x84: {  	_ =	shalt  }
0x85: {  	_ =	shalt  }
0x86: {  	_ =	shalt  }
0x87: {  	_ =	shalt  }
.Lfunc_end0:
.L_simem_size_0:
called_computation_lowered:
.L_overlay_start_0:
0x88: {  	s0 =	sld [smem:$0x3FD9]  }
0x89: {  	s1 =	sld [smem:$0x3FFE];
	_ =	sdelay $0x3  }
0x8a: {  	s0 =	sadd.s32 s1, s0  }
0x8b: {  	[smem:$0x3FC3] =	sst s0  }
0x8c: {  	_ = 	snop  }
0x8d: {  	s0 =	sld [smem:$0x3FD0];
	(tm) =	ssettm $0x1  }
0x8e: {  	s16 =	sld [smem:$0x3FFB];
	_ =	sdelay $0x3  }
0x8f: {  	_ =	strace s16  }
0x90: {  	s1 =	sld [smem:$0x3FFC];
	_ =	sdelay $0x3  }
0x91: {  	_ =	strace s1  }
0x92: {  	s1 =	sld [smem:$0x3FFD];
	_ =	sdelay $0x3  }
0x93: {  	_ =	strace s1  }
0x94: {  	_ =	strace $0x8FFFFFFF  }
0x95: {  	s17 =	sld [smem:$0x3FDB];
	_ =	sdelay $0x1  }
0x96: {  	s2 =	simm.s32 $_scs_section_size  }
0x97: {  	s3 =	simm.s32 $_size__tile_overlayer_lowered;
	s4 =	simm.s32 $_tile_overlayer_lowered  }
0x98: {  	s20 =	simm.s32 $0x1BFF;
	s19 =	sshll.u32 s4, $0x1;
	s1 =	sadd.s32 s2, s17  }
0x99: {  	s5 =	simm.s32 $0x0;
	s18 =	sshll.u32 s3, $0x1;
	s3 =	sadd.s32 s19, s1  }
0x9a: {  	[timem:s5], [sflag:s20] =	dma.local [hbm:s3], s18  }
0x9b: {  	_ =	swait.ge [sflag:s20], s18  }
0x9c: {  	s2 =	ssub.s32 $0x0, s18;
	[sflag:s20] =	ssyncset.done $0x0  }
0x9d: {  	[sflag:s20] =	ssyncadd.s32 s2;
	_ =	sdelay $0x1  }
0x9e: {  	s21 =	simm.s32 $0x1B8B  }
0x9f: {  	_ =	swait.ge [sflag:s21], $0x1  }
0xa0: {  	[sflag:s21] =	ssyncset.done $0x0  }
0xa1: {  	s23 =	simm.s32 $0x1B8E;
	s22 =	sld [smem:$0x3FFE];
	[sflag:s21] =	ssyncadd.s32 $0xFFFFFFFF  }
0xa2: {  	s24 =	simm.s32 $execute0_lowered;
	[smem:$0x3FD2] =	sst s23  }
0xa3: {  	s3 =	sshll.u32 s24, $0x1;
	_ =	strace $0x80000046;
	[dreg:$0x1] =	wrdreg $0xFFFFFFFF  }
0xa4: {  	s25 =	simm.s32 $_size_execute0_lowered;
	s1 =	sadd.s32 s1, s3;
	[dreg:$0x0] =	wrdreg $0x0  }
0xa5: {  	s3 =	sshll.u32 s25, $0x1;
	[dreg:$0x2] =	wrdreg s1  }
0xa6: {  	[dreg:$0x3] =	wrdreg s3  }
0xa7: {  	[dreg:$0x4] =	wrdreg $0xC0  }
0xa8: {  	_ =	task [dreg:s5], $0x5FFFF  }
0xa9: {  	[dreg:$0x1] =	wrdreg $0xFFFFFFFF  }
0xaa: {  	[dreg:$0x0] =	wrdreg $0x60  }
0xab: {  	[dreg:$0x2] =	wrdreg s0  }
0xac: {  	[dreg:$0x3] =	wrdreg s22  }
0xad: {  	[dreg:$0x4] =	wrdreg $0x44000  }
0xae: {  	[dreg:$0x5] =	wrdreg $0x9  }
0xaf: {  	_ =	task.clear_ibuf [dreg:s5], $0x6FFFF;
	_ =	strace $0x90000046  }
0xb0: {  	s26 =	simm.s32 $0x9;
	_ =	strace $0x80000048  }
0xb1: {  	_ =	swait.ge [sflag:s26], $0x1  }
0xb2: {  	[sflag:s26] =	ssyncadd.s32 $0xFFFFFFFF  }
0xb3: {  	_ =	strace $0x90000048  }
0xb4: {  	_ =	sfence  }
0xb5: {  	s28 =	sld [smem:$0x0];
	_ =	sdelay $0x1  }
0xb6: {  	s29 =	srdreg.scid  }
0xb7: {  	s30 =	sshll.u32 s29, $0xD;
	s31 =	sshrl.u32 s29, $0x2  }
0xb8: {  	s2 =	sand.u32 $0x4000, s30;
	s1 =	sand.u32 $0x1, s29;
	s0 =	sadd.s32 s31, s28  }
0xb9: {  	s1 =	sor.u32 s2, s1;
	s0 =	sshll.u32 s0, $0x11  }
0xba: {  	s0 =	sor.u32 s0, s1  }
0xbb: {  	s0 =	sadd.s32 $0x8F2B, s0  }
0xbc: {  	[sflag:s0] =	ssyncadd.remote.s32 $0x1  }
0xbd: {  	_ =	sfence.sel $0xFFFF  }
0xbe: {  	[dreg:$0x0] =	wrdreg $0xFFFFFFFF;
	(pc) =	sbr.abs _section_cstart, $3  }
0xbf: {  	[dreg:$0x1] =	wrdreg $0xFFFFFFFF  }
0xc0: {  	_ =	task.clear_ibuf [dreg:s5], $0x2FFFF;
	_ =	strace $0x9FFFFFFF  }
0xc1: {  	(tm) =	ssettm $0x7FFFFFFF  }
tec
execute0_lowered:
.L_overlay_start_1:
0x0: {  	(tag) =	ssettag $0x1  }
0x1: {  	s9 =	rddreg [dreg:$0x0]  }
0x2: {  	s15 =	rddreg [dreg:$0x1];
	s1 =	stileid.u32  }
0x3: {  	s2 =	rddreg [dreg:$0x2];
	s4 =	smul.u32 $0x4F000, s1  }
0x4: {  	s0 =	rddreg [dreg:$0x3];
	s8 =	simm.s32 $0x0;
	s3 =	smul.u32 $0x2780, s1  }
0x5: {  	[smem:$0x7FF] =	sst s8  }
0x6: {  	s30 =	sshll.u32 s1, $0x6;
	s4 =	sshrl.u32 s4, $0x2;
	s5 =	sadd.s32 s3, s15  }
0x7: {  	_ =	strace $0x80000047;
	s6 =	sadd.s32 s4, s2;
	s7 =	sadd.s32 $0xBA00, s5  }
0x8: {  	s4 =	sor.u32 $0x1C01, s30;
	s5 =	sshrl.u32 s6, $0x3;
	s6 =	simm.s32 $0x1  }
0x9: {  	[spmem:s5], [sflag:s4] =	dma.local [hbm:s7], $0x2780  }
0xa: {  	_ =	swait.ge [sflag:s6], $0x2780  }
0xb: {  	[sflag:s6] =	ssyncset.done $0x0  }
0xc: {  	s10 =	sadd.s32 $0xB200, s15;
	s7 =	simm.s32 $0x400;
	[sflag:s6] =	ssyncadd.s32 $0xFFFFD880  }
0xd: {  	[tilespmem:s7], [sflag:$0x1] =	stream.linear.gather [hbm4b:s10+s8], $0x4000, $0x38;
	[tilespmem:$0x57C0] =	vst v63  }
0xe: {  	s31 =	smul.u32 $0xA00, s1;
	_ =	swait.ge [sflag:s6], $0x4000  }
0xf: {  	[sflag:s6] =	ssyncset.done $0x0  }
0x10: {  	s10 =	sadd.s32 s31, s9;
	[sflag:s6] =	ssyncadd.s32 $0xFFFFC000  }
0x11: {  	s9 =	sadd.s32 $0x0, s10;
	[bflag:$0x0] =	sbarrier.arrive $0xFFFF  }
0x12: {  	[tilespmem:s8], [sflag:$0x1] =	stream.linear.gather [hbm4b:s9+s8], $0x400, $0x38;
	[tilespmem:$0x57C0] =	vst v63  }
0x13: {  	_ =	swait.ge [sflag:s6], $0x400  }
0x14: {  	[sflag:s6] =	ssyncset.done $0x0  }
0x15: {  	s9 =	simm.s32 $0x80;
	[sflag:s6] =	ssyncadd.s32 $0xFFFFFC00  }
0x16: {  	[spmem:s2] =	stream.indirect.scatter.add.f32 [tilespmem:s7], [sflag:$0x1], $0x8, s8, s9, $0xb8;
	[tilespmem:$0x57C0] =	vst v63  }
0x17: {  	_ =	swait.ge [sflag:s6], $0x400  }
0x18: {  	[sflag:s6] =	ssyncset.done $0x0  }
0x19: {  	[sflag:s6] =	ssyncadd.s32 $0xFFFFFC00  }
0x1a: {  	[spmem:s2] =	stream.indirect.scatter.add.f32 [tilespmem:s7], [sflag:$0x1], $0x8, s9, s9, $0xb8;
	[tilespmem:$0x57C0] =	vst v63  }
0x1b: {  	_ =	swait.ge [sflag:s6], $0x400  }
0x1c: {  	[sflag:s6] =	ssyncset.done $0x0  }
0x1d: {  	s11 =	simm.s32 $0x100;
	[sflag:s6] =	ssyncadd.s32 $0xFFFFFC00  }
0x1e: {  	[spmem:s2] =	stream.indirect.scatter.add.f32 [tilespmem:s7], [sflag:$0x1], $0x8, s11, s9, $0xb8;
	[tilespmem:$0x57C0] =	vst v63  }
0x1f: {  	_ =	swait.ge [sflag:s6], $0x400  }
0x20: {  	[sflag:s6] =	ssyncset.done $0x0  }
0x21: {  	s12 =	simm.s32 $0x180;
	[sflag:s6] =	ssyncadd.s32 $0xFFFFFC00  }
0x22: {  	[spmem:s2] =	stream.indirect.scatter.add.f32 [tilespmem:s7], [sflag:$0x1], $0x8, s12, s9, $0xb8;
	[tilespmem:$0x57C0] =	vst v63  }
0x23: {  	_ =	swait.ge [sflag:s6], $0x400  }
0x24: {  	[sflag:s6] =	ssyncset.done $0x0  }
0x25: {  	s13 =	simm.s32 $0x200;
	[sflag:s6] =	ssyncadd.s32 $0xFFFFFC00  }
0x26: {  	[spmem:s2] =	stream.indirect.scatter.add.f32 [tilespmem:s7], [sflag:$0x1], $0x8, s13, s9, $0xb8;
	[tilespmem:$0x57C0] =	vst v63  }
0x27: {  	_ =	swait.ge [sflag:s6], $0x400  }
0x28: {  	[sflag:s6] =	ssyncset.done $0x0  }
0x29: {  	s14 =	simm.s32 $0x280;
	[sflag:s6] =	ssyncadd.s32 $0xFFFFFC00  }
0x2a: {  	[spmem:s2] =	stream.indirect.scatter.add.f32 [tilespmem:s7], [sflag:$0x1], $0x8, s14, s9, $0xb8;
	[tilespmem:$0x57C0] =	vst v63  }
0x2b: {  	_ =	swait.ge [sflag:s6], $0x400  }
0x2c: {  	[sflag:s6] =	ssyncset.done $0x0  }
0x2d: {  	s16 =	simm.s32 $0x300;
	[sflag:s6] =	ssyncadd.s32 $0xFFFFFC00  }
0x2e: {  	[spmem:s2] =	stream.indirect.scatter.add.f32 [tilespmem:s7], [sflag:$0x1], $0x8, s16, s9, $0xb8;
	[tilespmem:$0x57C0] =	vst v63  }
0x2f: {  	_ =	swait.ge [sflag:s6], $0x400  }
0x30: {  	[sflag:s6] =	ssyncset.done $0x0  }
0x31: {  	s17 =	simm.s32 $0x380;
	[sflag:s6] =	ssyncadd.s32 $0xFFFFFC00  }
0x32: {  	[spmem:s2] =	stream.indirect.scatter.add.f32 [tilespmem:s7], [sflag:$0x1], $0x8, s17, s9, $0xb8;
	[tilespmem:$0x57C0] =	vst v63  }
0x33: {  	s18 =	simm.s32 $0x80;
	_ =	swait.ge [sflag:s6], $0x400  }
0x34: {  	s20 =	simm.s32 $0x100;
	s15 =	sadd.s32 $0x33200, s15;
	[sflag:s6] =	ssyncset.done $0x0  }
.LBB2_1:
0x35: {  	s21 =	sadd.s32 s18, s10  }
0x36: {  	[sflag:s6] =	ssyncadd.s32 $0xFFFFFC00;
	s18 =	smov.u32 s20;
	s19 =	sadd.s32 $0x80, s20  }
0x37: {  	[tilespmem:s8], [sflag:$0x1] =	stream.linear.gather [hbm4b:s21+s8], $0x400, $0x38;
	[tilespmem:$0x57C0] =	vst v63  }
0x38: {  	p0 =	sne.s32 s20, $0x980;
	_ =	swait.ge [sflag:s6], $0x400  }
0x39: {  	[sflag:s6] =	ssyncset.done $0x0  }
0x3a: {  	[sflag:s6] =	ssyncadd.s32 $0xFFFFFC00  }
0x3b: {  	[spmem:s2] =	stream.indirect.scatter.add.f32 [tilespmem:s7], [sflag:$0x1], $0x8, s8, s9, $0xb8;
	[tilespmem:$0x57C0] =	vst v63  }
0x3c: {  	_ =	swait.ge [sflag:s6], $0x400  }
0x3d: {  	[sflag:s6] =	ssyncset.done $0x0  }
0x3e: {  	[sflag:s6] =	ssyncadd.s32 $0xFFFFFC00  }
0x3f: {  	[spmem:s2] =	stream.indirect.scatter.add.f32 [tilespmem:s7], [sflag:$0x1], $0x8, s9, s9, $0xb8;
	[tilespmem:$0x57C0] =	vst v63  }
0x40: {  	_ =	swait.ge [sflag:s6], $0x400  }
0x41: {  	[sflag:s6] =	ssyncset.done $0x0  }
0x42: {  	[sflag:s6] =	ssyncadd.s32 $0xFFFFFC00  }
0x43: {  	[spmem:s2] =	stream.indirect.scatter.add.f32 [tilespmem:s7], [sflag:$0x1], $0x8, s11, s9, $0xb8;
	[tilespmem:$0x57C0] =	vst v63  }
0x44: {  	_ =	swait.ge [sflag:s6], $0x400  }
0x45: {  	[sflag:s6] =	ssyncset.done $0x0  }
0x46: {  	[sflag:s6] =	ssyncadd.s32 $0xFFFFFC00  }
0x47: {  	[spmem:s2] =	stream.indirect.scatter.add.f32 [tilespmem:s7], [sflag:$0x1], $0x8, s12, s9, $0xb8;
	[tilespmem:$0x57C0] =	vst v63  }
0x48: {  	_ =	swait.ge [sflag:s6], $0x400  }
0x49: {  	[sflag:s6] =	ssyncset.done $0x0  }
0x4a: {  	[sflag:s6] =	ssyncadd.s32 $0xFFFFFC00  }
0x4b: {  	[spmem:s2] =	stream.indirect.scatter.add.f32 [tilespmem:s7], [sflag:$0x1], $0x8, s13, s9, $0xb8;
	[tilespmem:$0x57C0] =	vst v63  }
0x4c: {  	_ =	swait.ge [sflag:s6], $0x400  }
0x4d: {  	[sflag:s6] =	ssyncset.done $0x0  }
0x4e: {  	[sflag:s6] =	ssyncadd.s32 $0xFFFFFC00  }
0x4f: {  	[spmem:s2] =	stream.indirect.scatter.add.f32 [tilespmem:s7], [sflag:$0x1], $0x8, s14, s9, $0xb8;
	[tilespmem:$0x57C0] =	vst v63  }
0x50: {  	_ =	swait.ge [sflag:s6], $0x400  }
0x51: {  	[sflag:s6] =	ssyncset.done $0x0  }
0x52: {  	[sflag:s6] =	ssyncadd.s32 $0xFFFFFC00  }
0x53: {  	[spmem:s2] =	stream.indirect.scatter.add.f32 [tilespmem:s7], [sflag:$0x1], $0x8, s16, s9, $0xb8;
	[tilespmem:$0x57C0] =	vst v63  }
0x54: {  	_ =	swait.ge [sflag:s6], $0x400  }
.Ltmp0:
0x55: {  	[sflag:s6] =	ssyncset.done $0x0;
	(pc) =	sbr.rel @p0 .LBB2_1-.Ltmp0, $4  }
0x56: {  	[sflag:s6] =	ssyncadd.s32 $0xFFFFFC00  }
0x57: {  	[spmem:s2] =	stream.indirect.scatter.add.f32 [tilespmem:s7], [sflag:$0x1], $0x8, s17, s9, $0xb8;
	[tilespmem:$0x57C0] =	vst v63  }
0x58: {  	_ =	swait.ge [sflag:s6], $0x400  }
0x59: {  	s20 =	smov.u32 s19;
	[sflag:s6] =	ssyncset.done $0x0  }
0x5a: {  	s10 =	sadd.s32 s18, s10;
	[sflag:s6] =	ssyncadd.s32 $0xFFFFFC00  }
0x5b: {  	[tilespmem:s8], [sflag:$0x1] =	stream.linear.gather [hbm4b:s10+s8], $0x400, $0x38;
	[tilespmem:$0x57C0] =	vst v63  }
0x5c: {  	_ =	swait.ge [sflag:s6], $0x400  }
0x5d: {  	[sflag:s6] =	ssyncset.done $0x0  }
0x5e: {  	[sflag:s6] =	ssyncadd.s32 $0xFFFFFC00  }
0x5f: {  	[spmem:s2] =	stream.indirect.scatter.add.f32 [tilespmem:s7], [sflag:$0x1], $0x8, s8, s9, $0xb8;
	[tilespmem:$0x57C0] =	vst v63  }
0x60: {  	_ =	swait.ge [sflag:s6], $0x400  }
0x61: {  	[sflag:s6] =	ssyncset.done $0x0  }
0x62: {  	[sflag:s6] =	ssyncadd.s32 $0xFFFFFC00  }
0x63: {  	[spmem:s2] =	stream.indirect.scatter.add.f32 [tilespmem:s7], [sflag:$0x1], $0x8, s9, s9, $0xb8;
	[tilespmem:$0x57C0] =	vst v63  }
0x64: {  	_ =	swait.ge [sflag:s6], $0x400  }
0x65: {  	[sflag:s6] =	ssyncset.done $0x0  }
0x66: {  	[sflag:s6] =	ssyncadd.s32 $0xFFFFFC00  }
0x67: {  	[spmem:s2] =	stream.indirect.scatter.add.f32 [tilespmem:s7], [sflag:$0x1], $0x8, s11, s9, $0xb8;
	[tilespmem:$0x57C0] =	vst v63  }
0x68: {  	_ =	swait.ge [sflag:s6], $0x400  }
0x69: {  	[sflag:s6] =	ssyncset.done $0x0  }
0x6a: {  	[sflag:s6] =	ssyncadd.s32 $0xFFFFFC00  }
0x6b: {  	[spmem:s2] =	stream.indirect.scatter.add.f32 [tilespmem:s7], [sflag:$0x1], $0x8, s12, s9, $0xb8;
	[tilespmem:$0x57C0] =	vst v63  }
0x6c: {  	_ =	swait.ge [sflag:s6], $0x400  }
0x6d: {  	[sflag:s6] =	ssyncset.done $0x0  }
0x6e: {  	[sflag:s6] =	ssyncadd.s32 $0xFFFFFC00  }
0x6f: {  	[spmem:s2] =	stream.indirect.scatter.add.f32 [tilespmem:s7], [sflag:$0x1], $0x8, s13, s9, $0xb8;
	[tilespmem:$0x57C0] =	vst v63  }
0x70: {  	_ =	swait.ge [sflag:s6], $0x400  }
0x71: {  	[sflag:s6] =	ssyncset.done $0x0  }
0x72: {  	[sflag:s6] =	ssyncadd.s32 $0xFFFFFC00  }
0x73: {  	[spmem:s2] =	stream.indirect.scatter.add.f32 [tilespmem:s7], [sflag:$0x1], $0x8, s14, s9, $0xb8;
	[tilespmem:$0x57C0] =	vst v63  }
0x74: {  	_ =	swait.ge [sflag:s6], $0x400  }
0x75: {  	[sflag:s6] =	ssyncset.done $0x0  }
0x76: {  	[sflag:s6] =	ssyncadd.s32 $0xFFFFFC00  }
0x77: {  	[spmem:s2] =	stream.indirect.scatter.add.f32 [tilespmem:s7], [sflag:$0x1], $0x8, s16, s9, $0xb8;
	[tilespmem:$0x57C0] =	vst v63  }
0x78: {  	_ =	swait.ge [sflag:s6], $0x400  }
0x79: {  	[sflag:s6] =	ssyncset.done $0x0  }
0x7a: {  	[sflag:s6] =	ssyncadd.s32 $0xFFFFFC00  }
0x7b: {  	[spmem:s2] =	stream.indirect.scatter.add.f32 [tilespmem:s7], [sflag:$0x1], $0x8, s17, s9, $0xb8;
	[tilespmem:$0x57C0] =	vst v63  }
0x7c: {  	_ =	swait.ge [sflag:s6], $0x400  }
0x7d: {  	[sflag:s6] =	ssyncset.done $0x0  }
0x7e: {  	[sflag:s6] =	ssyncadd.s32 $0xFFFFFC00  }
0x7f: {  	s30 =	sadd.s32 s15, s3;
	s31 =	simm.s32 $0x1;
	[bflag:$0x0] =	sbarrier.arrive $0xFFFF  }
0x80: {  	[hbm:s30], [sflag:s4] =	dma.local [spmem:s5], $0x2780  }
0x81: {  	_ =	swait.ge [sflag:s31], $0x2780  }
0x82: {  	[sflag:s31] =	ssyncset.done $0x0  }
0x83: {  	[sflag:s31] =	ssyncadd.s32 $0xFFFFD880  }
0x84: {  	_ =	sfence.sel $0x180000  }
0x85: {  	[bflag:$0x0] =	sbarrier.arrive $0xFFFF  }
0x86: {  	p0 =	sne.s32 s1, $0x0;
	_ =	strace $0x90000047  }
0x87: {  	s0 =	sadd.s32 @!p0 $0x100000, s0;
	[bflag:$0x2] =	sbarrier.arrive $0xFFFF  }
0x88: {  	[sflag:s0] =	ssyncadd.tile.s32 @!p0 $0x1;
	_ =	shalt  }
.Lfunc_end2:
_tile_overlayer_lowered:
.L_overlay_start_2:
0x89: {  	(tag) =	ssettag $0x2  }
0x8a: {  	s0 =	rddreg [dreg:$0x0];
	s2 =	stileid.u32  }
0x8b: {  	s1 =	rddreg [dreg:$0x1];
	p0 =	sne.s32 s2, $0x0  }
0x8c: {  	s3 =	rddreg [dreg:$0x2];
	[bflag:$0x3] =	sbarrier.arrive $0xFFFF;
	s2 =	simm.s32 @!p0 $0x1C01  }
0x8d: {  	[timem:s3], [sflag:s2] =	dma.local @!p0 [hbm:s0], s1  }
0x8e: {  	s0 =	simm.s32 @!p0 $0x1  }
0x8f: {  	_ =	swait.ge @!p0 [sflag:s0], s1  }
0x90: {  	s1 =	ssub.s32 @!p0 $0x0, s1;
	[sflag:s0] =	ssyncset.done @!p0 $0x0  }
0x91: {  	[sflag:s0] =	ssyncadd.s32 @!p0 s1  }
0x92: {  	[bflag:$0x3] =	sbarrier.arrive $0xFFFF  }
0x93: {  	_ =	shalt  }

// kernel: kernel.9.cloned.1.call-start
scs
__scs_entry_jumppad:
0x0: {  	(pc) =	sbr.rel $0x88, $3  }
0x1: {  	(tag) =	ssettag $0x0;
	lr =	simm.s32 $0x1  }
0x2: {  	[smem:$0x3F9C] =	sst lr;
	_ =	strace $0xD0000000  }
0x3: {  	_ = 	snop  }
0x4: {  	_ = 	snop  }
0x5: {  	_ = 	snop  }
0x6: {  	_ = 	snop  }
0x7: {  	_ = 	snop  }
__scs_overlays_trampoline_lowered:
0x8: {  	[smem:$0x3FAB] =	sst s0  }
0x9: {  	[smem:$0x3FAC] =	sst s1  }
0xa: {  	[smem:$0x3FAD] =	sst s2  }
0xb: {  	[smem:$0x3FAE] =	sst s3  }
0xc: {  	[smem:$0x3FAF] =	sst s4  }
0xd: {  	[smem:$0x3FB0] =	sst s5  }
0xe: {  	[smem:$0x3FB1] =	sst s6  }
0xf: {  	[smem:$0x3FB2] =	sst s7  }
0x10: {  	[smem:$0x3FB3] =	sst s8  }
0x11: {  	[smem:$0x3FB4] =	sst s9;
	s0 =	simm.s32 @!p0 $0x0  }
0x12: {  	s1 =	sld [smem:$0x3F9A];
	s0 =	simm.s32 @p0 $0x1  }
0x13: {  	[smem:$0x3FB5] =	sst s0;
	s0 =	simm.s32 @!p1 $0x0  }
0x14: {  	s2 =	sld [smem:$0x3F99];
	s0 =	simm.s32 @p1 $0x1  }
0x15: {  	[smem:$0x3FB6] =	sst s0;
	s0 =	simm.s32 @!p2 $0x0  }
0x16: {  	s3 =	sld [smem:$0x3FDB];
	s0 =	simm.s32 @p2 $0x1  }
0x17: {  	s4 =	simm.s32 $0x1BF5;
	[smem:$0x3FB8] =	sst s0  }
0x18: {  	s0 =	sld [smem:$0x3F9B];
	_ =	swait.ge [sflag:s4], $0x0  }
0x19: {  	s7 =	sld [smem:$0x3F9C]  }
0x1a: {  	s8 =	sadd.s32 $0xFFFFE003, lr  }
0x1b: {  	s9 =	sadd.s32 $0xFFFFFEF7, lr;
	s5 =	simm.s32 $0xFFFFFFFF;
	p2 =	slt.u32 s8, $0xFFFFF086  }
0x1c: {  	p1 =	slt.u32 s9, $0xF7A;
	s5 =	simm.s32 @!p2 $0x0  }
0x1d: {  	s5 =	simm.s32 @p1 $0x1;
	p0 =	seq.s32 s7, s2  }
0x1e: {  	s7 =	smul.u32 @!p0 $0xF7A, s2;
	p2 =	seq.s32 @!p0 s5, $0x0  }
0x1f: {  	s9 =	smul.u32 $0xF7A, s1;
	s8 =	simm.s32 @!p0 $0x1BF5;
	p2 =	por !p2, p0  }
0x20: {  	[sflag:s8] =	ssyncset.s32 @!p0 $0xFFFFF086;
	s6 =	sadd.s32 @!p0 s3, s7;
	s7 =	simm.s32 @!p0 $0x108  }
0x21: {  	s3 =	sadd.s32 s3, s9;
	s6 =	sadd.s32 @!p0 $0x88, s6;
	s7 =	simm.s32 @p2 $0x1082  }
0x22: {  	[simem:s7], [sflag:s8] =	dma.local @!p0 [hbm:s6], $0xF7A  }
0x23: {  	s9 =	sor.u32 $0xD0000000, s2;
	s6 =	simm.s32 $0x108;
	_ =	swait.ge @!p0 [sflag:s8], $0x0  }
0x24: {  	s3 =	sadd.s32 $0x88, s3;
	s6 =	simm.s32 @!p1 $0x1082;
	[sflag:s4] =	ssyncset.s32 $0xFFFFF086  }
0x25: {  	[simem:s6], [sflag:s4] =	dma.local [hbm:s3], $0xF7A  }
0x26: {  	[smem:$0x3F9C] =	sst s1;
	(tag) =	ssettag s2;
	_ =	strace s9  }
0x27: {  	s1 =	sld [smem:$0x3FAC]  }
0x28: {  	s2 =	sld [smem:$0x3FAD]  }
0x29: {  	s4 =	sld [smem:$0x3FAF]  }
0x2a: {  	p0 =	seq.s32 s5, $0x0;
	s5 =	sld [smem:$0x3FB0]  }
0x2b: {  	s6 =	sld [smem:$0x3FB1]  }
0x2c: {  	s7 =	sld [smem:$0x3FB2]  }
0x2d: {  	s3 =	simm.s32 $0x108;
	s8 =	sld [smem:$0x3FB3]  }
0x2e: {  	s3 =	simm.s32 @!p0 $0x1082;
	s9 =	sld [smem:$0x3FB4]  }
0x2f: {  	lr =	sadd.s32 s0, s3;
	s0 =	sld [smem:$0x3FAB]  }
0x30: {  	s3 =	sld [smem:$0x3FAE]  }
0x31: {  	[smem:$0x3FB7] =	sst s10  }
0x32: {  	s10 =	sld [smem:$0x3FB5];
	_ =	sdelay $0x3  }
0x33: {  	p0 =	seq.s32 s10, $0x1;
	s10 =	sld [smem:$0x3FB7];
	_ =	sdelay $0x3  }
0x34: {  	[smem:$0x3FB7] =	sst s10  }
0x35: {  	s10 =	sld [smem:$0x3FB6];
	_ =	sdelay $0x3  }
0x36: {  	p1 =	seq.s32 s10, $0x1;
	s10 =	sld [smem:$0x3FB7];
	_ =	sdelay $0x3  }
0x37: {  	[smem:$0x3FB7] =	sst s10  }
0x38: {  	s10 =	sld [smem:$0x3FB8]  }
0x39: {  	_ = 	snop;
	(pc) =	sbr.ind lr, $3  }
0x3a: {  	_ = 	snop  }
0x3b: {  	_ = 	snop  }
0x3c: {  	p2 =	seq.s32 s10, $0x1;
	s10 =	sld [smem:$0x3FB7]  }
0x3d: {  	_ =	shalt  }
0x3e: {  	_ =	shalt  }
0x3f: {  	_ =	shalt  }
0x40: {  	_ =	shalt  }
0x41: {  	_ =	shalt  }
0x42: {  	_ =	shalt  }
0x43: {  	_ =	shalt  }
0x44: {  	_ =	shalt  }
0x45: {  	_ =	shalt  }
0x46: {  	_ =	shalt  }
0x47: {  	_ =	shalt  }
0x48: {  	_ =	shalt  }
0x49: {  	_ =	shalt  }
0x4a: {  	_ =	shalt  }
0x4b: {  	_ =	shalt  }
0x4c: {  	_ =	shalt  }
0x4d: {  	_ =	shalt  }
0x4e: {  	_ =	shalt  }
0x4f: {  	_ =	shalt  }
0x50: {  	_ =	shalt  }
0x51: {  	_ =	shalt  }
0x52: {  	_ =	shalt  }
0x53: {  	_ =	shalt  }
0x54: {  	_ =	shalt  }
0x55: {  	_ =	shalt  }
0x56: {  	_ =	shalt  }
0x57: {  	_ =	shalt  }
0x58: {  	_ =	shalt  }
0x59: {  	_ =	shalt  }
0x5a: {  	_ =	shalt  }
0x5b: {  	_ =	shalt  }
0x5c: {  	_ =	shalt  }
0x5d: {  	_ =	shalt  }
0x5e: {  	_ =	shalt  }
0x5f: {  	_ =	shalt  }
0x60: {  	_ =	shalt  }
0x61: {  	_ =	shalt  }
0x62: {  	_ =	shalt  }
0x63: {  	_ =	shalt  }
0x64: {  	_ =	shalt  }
0x65: {  	_ =	shalt  }
0x66: {  	_ =	shalt  }
0x67: {  	_ =	shalt  }
0x68: {  	_ =	shalt  }
0x69: {  	_ =	shalt  }
0x6a: {  	_ =	shalt  }
0x6b: {  	_ =	shalt  }
0x6c: {  	_ =	shalt  }
0x6d: {  	_ =	shalt  }
0x6e: {  	_ =	shalt  }
0x6f: {  	_ =	shalt  }
0x70: {  	_ =	shalt  }
0x71: {  	_ =	shalt  }
0x72: {  	_ =	shalt  }
0x73: {  	_ =	shalt  }
0x74: {  	_ =	shalt  }
0x75: {  	_ =	shalt  }
0x76: {  	_ =	shalt  }
0x77: {  	_ =	shalt  }
0x78: {  	_ =	shalt  }
0x79: {  	_ =	shalt  }
0x7a: {  	_ =	shalt  }
0x7b: {  	_ =	shalt  }
0x7c: {  	_ =	shalt  }
0x7d: {  	_ =	shalt  }
0x7e: {  	_ =	shalt  }
0x7f: {  	_ =	shalt  }
0x80: {  	_ =	shalt  }
0x81: {  	_ =	shalt  }
0x82: {  	_ =	shalt  }
0x83: {  	_ =	shalt  }
0x84: {  	_ =	shalt  }
0x85: {  	_ =	shalt  }
0x86: {  	_ =	shalt  }
0x87: {  	_ =	shalt  }
.Lfunc_end0:
.L_simem_size_0:
called_computation.1_lowered:
.L_overlay_start_0:
0x88: {  	s0 =	sld [smem:$0x3FD9]  }
0x89: {  	s1 =	sld [smem:$0x3FFE];
	_ =	sdelay $0x3  }
0x8a: {  	s0 =	sadd.s32 s1, s0  }
0x8b: {  	[smem:$0x3FC3] =	sst s0  }
0x8c: {  	_ = 	snop  }
0x8d: {  	s0 =	sld [smem:$0x3FD0];
	(tm) =	ssettm $0x1  }
0x8e: {  	s16 =	sld [smem:$0x3FFB];
	_ =	sdelay $0x3  }
0x8f: {  	_ =	strace s16  }
0x90: {  	s1 =	sld [smem:$0x3FFC];
	_ =	sdelay $0x3  }
0x91: {  	_ =	strace s1  }
0x92: {  	s1 =	sld [smem:$0x3FFD];
	_ =	sdelay $0x3  }
0x93: {  	_ =	strace s1  }
0x94: {  	_ =	strace $0x8FFFFFFF  }
0x95: {  	s17 =	sld [smem:$0x3FDB];
	_ =	sdelay $0x1  }
0x96: {  	s2 =	simm.s32 $_scs_section_size  }
0x97: {  	s3 =	simm.s32 $_size__tile_overlayer_lowered;
	s4 =	simm.s32 $_tile_overlayer_lowered  }
0x98: {  	s20 =	simm.s32 $0x1BFF;
	s19 =	sshll.u32 s4, $0x1;
	s1 =	sadd.s32 s2, s17  }
0x99: {  	s5 =	simm.s32 $0x0;
	s18 =	sshll.u32 s3, $0x1;
	s3 =	sadd.s32 s19, s1  }
0x9a: {  	[timem:s5], [sflag:s20] =	dma.local [hbm:s3], s18  }
0x9b: {  	_ =	swait.ge [sflag:s20], s18  }
0x9c: {  	s2 =	ssub.s32 $0x0, s18;
	[sflag:s20] =	ssyncset.done $0x0  }
0x9d: {  	[sflag:s20] =	ssyncadd.s32 s2;
	_ =	sdelay $0x1  }
0x9e: {  	s21 =	simm.s32 $0x1B8B  }
0x9f: {  	_ =	swait.ge [sflag:s21], $0x1  }
0xa0: {  	[sflag:s21] =	ssyncset.done $0x0  }
0xa1: {  	s23 =	simm.s32 $0x1B8E;
	s22 =	sld [smem:$0x3FFE];
	[sflag:s21] =	ssyncadd.s32 $0xFFFFFFFF  }
0xa2: {  	s24 =	simm.s32 $execute0_lowered;
	[smem:$0x3FD2] =	sst s23  }
0xa3: {  	s3 =	sshll.u32 s24, $0x1;
	_ =	strace $0x80000049;
	[dreg:$0x1] =	wrdreg $0xFFFFFFFF  }
0xa4: {  	s25 =	simm.s32 $_size_execute0_lowered;
	s1 =	sadd.s32 s1, s3;
	[dreg:$0x0] =	wrdreg $0x0  }
0xa5: {  	s3 =	sshll.u32 s25, $0x1;
	[dreg:$0x2] =	wrdreg s1  }
0xa6: {  	[dreg:$0x3] =	wrdreg s3  }
0xa7: {  	[dreg:$0x4] =	wrdreg $0xC0  }
0xa8: {  	_ =	task [dreg:s5], $0x5FFFF  }
0xa9: {  	[dreg:$0x1] =	wrdreg $0xFFFFFFFF  }
0xaa: {  	[dreg:$0x0] =	wrdreg $0x60  }
0xab: {  	[dreg:$0x2] =	wrdreg s22  }
0xac: {  	[dreg:$0x3] =	wrdreg s0  }
0xad: {  	[dreg:$0x4] =	wrdreg $0x88000  }
0xae: {  	[dreg:$0x5] =	wrdreg $0x9  }
0xaf: {  	_ =	task.clear_ibuf [dreg:s5], $0x6FFFF;
	_ =	strace $0x90000049  }
0xb0: {  	s26 =	simm.s32 $0x9;
	_ =	strace $0x8000004B  }
0xb1: {  	_ =	swait.ge [sflag:s26], $0x1  }
0xb2: {  	[sflag:s26] =	ssyncadd.s32 $0xFFFFFFFF  }
0xb3: {  	_ =	strace $0x9000004B  }
0xb4: {  	_ =	sfence  }
0xb5: {  	s28 =	sld [smem:$0x0];
	_ =	sdelay $0x1  }
0xb6: {  	s29 =	srdreg.scid  }
0xb7: {  	s30 =	sshll.u32 s29, $0xD;
	s31 =	sshrl.u32 s29, $0x2  }
0xb8: {  	s2 =	sand.u32 $0x4000, s30;
	s1 =	sand.u32 $0x1, s29;
	s0 =	sadd.s32 s31, s28  }
0xb9: {  	s1 =	sor.u32 s2, s1;
	s0 =	sshll.u32 s0, $0x11  }
0xba: {  	s0 =	sor.u32 s0, s1  }
0xbb: {  	s0 =	sadd.s32 $0x8F2B, s0  }
0xbc: {  	[sflag:s0] =	ssyncadd.remote.s32 $0x1  }
0xbd: {  	_ =	sfence.sel $0xFFFF  }
0xbe: {  	[dreg:$0x0] =	wrdreg $0xFFFFFFFF;
	(pc) =	sbr.abs _section_cstart, $3  }
0xbf: {  	[dreg:$0x1] =	wrdreg $0xFFFFFFFF  }
0xc0: {  	_ =	task.clear_ibuf [dreg:s5], $0x2FFFF;
	_ =	strace $0x9FFFFFFF  }
0xc1: {  	(tm) =	ssettm $0x7FFFFFFF  }
tec
execute0_lowered:
.L_overlay_start_1:
0x0: {  	(tag) =	ssettag $0x1  }
0x1: {  	s0 =	rddreg [dreg:$0x0]  }
0x2: {  	s1 =	rddreg [dreg:$0x1];
	s3 =	stileid.u32  }
0x3: {  	s2 =	rddreg [dreg:$0x2];
	s13 =	simm.s32 $0x0;
	s4 =	smul.u32 $0x4F000, s3  }
0x4: {  	[smem:$0x7FF] =	sst s13;
	s5 =	smul.u32 $0x2780, s3  }
0x5: {  	s25 =	sshll.u32 s3, $0x6;
	s26 =	smul.u32 $0xA00, s3;
	_ =	strace $0x8000004A  }
0x6: {  	s4 =	sshrl.u32 s4, $0x2;
	[dreg:$0x4] =	wrdreg s5;
	s5 =	sadd.s32 s5, s0  }
0x7: {  	s6 =	sadd.s32 s4, s2;
	s7 =	sadd.s32 $0x32A00, s5;
	s4 =	sor.u32 $0x1C03, s25  }
0x8: {  	s5 =	sshrl.u32 s6, $0x3;
	[dreg:$0x5] =	wrdreg s4;
	s6 =	simm.s32 $0x3  }
0x9: {  	[spmem:s5], [sflag:s4] =	dma.local [hbm:s7], $0x2780  }
0xa: {  	_ =	swait.ge [sflag:s6], $0x2780  }
0xb: {  	s8 =	sadd.s32 s26, s0;
	[sflag:s6] =	ssyncset.done $0x0  }
0xc: {  	s16 =	sadd.s32 $0x1200, s8;
	[sflag:s6] =	ssyncadd.s32 $0xFFFFD880  }
0xd: {  	s8 =	sadd.s32 $0x0, s16;
	[bflag:$0x0] =	sbarrier.arrive $0xFFFF  }
0xe: {  	[tilespmem:s13], [sflag:$0x3] =	stream.linear.gather [hbm4b:s8+s13], $0x400, $0x38;
	[tilespmem:$0x1C400] =	vst v63  }
0xf: {  	_ =	swait.ge [sflag:s6], $0x400  }
0x10: {  	s15 =	sadd.s32 s26, s1;
	[sflag:s6] =	ssyncset.done $0x0  }
0x11: {  	s14 =	simm.s32 $0x400;
	s1 =	sadd.s32 $0x0, s15;
	[sflag:s6] =	ssyncadd.s32 $0xFFFFFC00  }
0x12: {  	[tilespmem:s14], [sflag:$0x3] =	stream.linear.gather [hbm4b:s1+s13], $0x400, $0x38;
	[tilespmem:$0x1C400] =	vst v63  }
0x13: {  	_ =	swait.ge [sflag:s6], $0x400  }
0x14: {  	s9 =	simm.s32 $0x800;
	[sflag:s6] =	ssyncset.done $0x0  }
0x15: {  	s10 =	sadd.s32 $0xB200, s0;
	s7 =	simm.s32 $0x80;
	[sflag:s6] =	ssyncadd.s32 $0xFFFFFC00  }
0x16: {  	[tilespmem:s9], [sflag:$0x1] =	stream.indirect.gather [hbm4b:s10+s7], $0x80, s13, s7, $0xb8;
	[tilespmem:$0x1C400] =	vst v63  }
0x17: {  	s11 =	simm.s32 $0x1;
	s8 =	simm.s32 $0x4800  }
0x18: {  	[tilespmem:s8], [sflag:$0x2] =	stream.indirect.gather [hbm4b:s10+s7], $0x80, s7, s7, $0xb8;
	[tilespmem:$0x1C400] =	vst v63  }
0x19: {  	_ =	swait.ge [sflag:s11], $0x4000  }
0x1a: {  	[sflag:s11] =	ssyncset.done $0x0  }
0x1b: {  	[sflag:s11] =	ssyncadd.s32 $0xFFFFC000  }
0x1c: {  	[spmem:s2] =	stream.indirect.scatter.add.f32 [tilespmem:s9], [sflag:$0x3], $0x80, s14, s7, $0xb8;
	[tilespmem:$0x1C400] =	vst v63  }
0x1d: {  	_ =	swait.ge [sflag:s6], $0x4000  }
0x1e: {  	[sflag:s6] =	ssyncset.done $0x0  }
0x1f: {  	s17 =	simm.s32 $0x100;
	s12 =	simm.s32 $0x2;
	[sflag:s6] =	ssyncadd.s32 $0xFFFFC000  }
0x20: {  	[tilespmem:s9], [sflag:$0x1] =	stream.indirect.gather [hbm4b:s10+s7], $0x80, s17, s7, $0xb8;
	[tilespmem:$0x1C400] =	vst v63  }
0x21: {  	_ =	swait.ge [sflag:s12], $0x4000  }
0x22: {  	[sflag:s12] =	ssyncset.done $0x0  }
0x23: {  	s18 =	simm.s32 $0x480;
	[sflag:s12] =	ssyncadd.s32 $0xFFFFC000  }
0x24: {  	[spmem:s2] =	stream.indirect.scatter.add.f32 [tilespmem:s8], [sflag:$0x3], $0x80, s18, s7, $0xb8;
	[tilespmem:$0x1C400] =	vst v63  }
0x25: {  	_ =	swait.ge [sflag:s6], $0x4000  }
0x26: {  	[sflag:s6] =	ssyncset.done $0x0  }
0x27: {  	s19 =	simm.s32 $0x180;
	[sflag:s6] =	ssyncadd.s32 $0xFFFFC000  }
0x28: {  	[tilespmem:s8], [sflag:$0x2] =	stream.indirect.gather [hbm4b:s10+s7], $0x80, s19, s7, $0xb8;
	[tilespmem:$0x1C400] =	vst v63  }
0x29: {  	_ =	swait.ge [sflag:s11], $0x4000  }
0x2a: {  	[sflag:s11] =	ssyncset.done $0x0  }
0x2b: {  	s20 =	simm.s32 $0x500;
	[sflag:s11] =	ssyncadd.s32 $0xFFFFC000  }
0x2c: {  	[spmem:s2] =	stream.indirect.scatter.add.f32 [tilespmem:s9], [sflag:$0x3], $0x80, s20, s7, $0xb8;
	[tilespmem:$0x1C400] =	vst v63  }
0x2d: {  	_ =	swait.ge [sflag:s6], $0x4000  }
0x2e: {  	[sflag:s6] =	ssyncset.done $0x0  }
0x2f: {  	s21 =	simm.s32 $0x200;
	[sflag:s6] =	ssyncadd.s32 $0xFFFFC000  }
0x30: {  	[tilespmem:s9], [sflag:$0x1] =	stream.indirect.gather [hbm4b:s10+s7], $0x80, s21, s7, $0xb8;
	[tilespmem:$0x1C400] =	vst v63  }
0x31: {  	_ =	swait.ge [sflag:s12], $0x4000  }
0x32: {  	[sflag:s12] =	ssyncset.done $0x0  }
0x33: {  	s22 =	simm.s32 $0x580;
	[sflag:s12] =	ssyncadd.s32 $0xFFFFC000  }
0x34: {  	[spmem:s2] =	stream.indirect.scatter.add.f32 [tilespmem:s8], [sflag:$0x3], $0x80, s22, s7, $0xb8;
	[tilespmem:$0x1C400] =	vst v63  }
0x35: {  	_ =	swait.ge [sflag:s6], $0x4000  }
0x36: {  	[sflag:s6] =	ssyncset.done $0x0  }
0x37: {  	s23 =	simm.s32 $0x280;
	[sflag:s6] =	ssyncadd.s32 $0xFFFFC000  }
0x38: {  	[tilespmem:s8], [sflag:$0x2] =	stream.indirect.gather [hbm4b:s10+s7], $0x80, s23, s7, $0xb8;
	[tilespmem:$0x1C400] =	vst v63  }
0x39: {  	_ =	swait.ge [sflag:s11], $0x4000  }
0x3a: {  	[sflag:s11] =	ssyncset.done $0x0  }
0x3b: {  	s24 =	simm.s32 $0x600;
	[sflag:s11] =	ssyncadd.s32 $0xFFFFC000  }
0x3c: {  	[spmem:s2] =	stream.indirect.scatter.add.f32 [tilespmem:s9], [sflag:$0x3], $0x80, s24, s7, $0xb8;
	[tilespmem:$0x1C400] =	vst v63  }
0x3d: {  	_ =	swait.ge [sflag:s6], $0x4000  }
0x3e: {  	[sflag:s6] =	ssyncset.done $0x0  }
0x3f: {  	s25 =	simm.s32 $0x300;
	[sflag:s6] =	ssyncadd.s32 $0xFFFFC000  }
0x40: {  	[tilespmem:s9], [sflag:$0x1] =	stream.indirect.gather [hbm4b:s10+s7], $0x80, s25, s7, $0xb8;
	[tilespmem:$0x1C400] =	vst v63  }
0x41: {  	_ =	swait.ge [sflag:s12], $0x4000  }
0x42: {  	[sflag:s12] =	ssyncset.done $0x0  }
0x43: {  	s26 =	simm.s32 $0x680;
	[sflag:s12] =	ssyncadd.s32 $0xFFFFC000  }
0x44: {  	[spmem:s2] =	stream.indirect.scatter.add.f32 [tilespmem:s8], [sflag:$0x3], $0x80, s26, s7, $0xb8;
	[tilespmem:$0x1C400] =	vst v63  }
0x45: {  	_ =	swait.ge [sflag:s6], $0x4000  }
0x46: {  	[sflag:s6] =	ssyncset.done $0x0  }
0x47: {  	s29 =	simm.s32 $0x380;
	[sflag:s6] =	ssyncadd.s32 $0xFFFFC000  }
0x48: {  	[tilespmem:s8], [sflag:$0x2] =	stream.indirect.gather [hbm4b:s10+s7], $0x80, s29, s7, $0xb8;
	[tilespmem:$0x1C400] =	vst v63  }
0x49: {  	_ =	swait.ge [sflag:s11], $0x4000  }
0x4a: {  	[sflag:s11] =	ssyncset.done $0x0  }
0x4b: {  	s30 =	simm.s32 $0x700;
	[sflag:s11] =	ssyncadd.s32 $0xFFFFC000  }
0x4c: {  	[spmem:s2] =	stream.indirect.scatter.add.f32 [tilespmem:s9], [sflag:$0x3], $0x80, s30, s7, $0xb8;
	[tilespmem:$0x1C400] =	vst v63  }
0x4d: {  	_ =	swait.ge [sflag:s6], $0x4000  }
0x4e: {  	[sflag:s6] =	ssyncset.done $0x0  }
0x4f: {  	[sflag:s6] =	ssyncadd.s32 $0xFFFFC000  }
0x50: {  	_ =	swait.ge [sflag:s12], $0x4000  }
0x51: {  	s0 =	sadd.s32 $0x5A200, s0;
	[sflag:s12] =	ssyncset.done $0x0  }
0x52: {  	s31 =	simm.s32 $0x780;
	[dreg:$0x6] =	wrdreg s0;
	[sflag:s12] =	ssyncadd.s32 $0xFFFFC000  }
0x53: {  	[spmem:s2] =	stream.indirect.scatter.add.f32 [tilespmem:s8], [sflag:$0x3], $0x80, s31, s7, $0xb8;
	[tilespmem:$0x1C400] =	vst v63  }
0x54: {  	_ =	swait.ge [sflag:s6], $0x4000  }
0x55: {  	s28 =	simm.s32 $0x100;
	s0 =	simm.s32 $0x80;
	[sflag:s6] =	ssyncset.done $0x0  }
.LBB2_1:
0x56: {  	s3 =	sadd.s32 s0, s16  }
0x57: {  	[sflag:s6] =	ssyncadd.s32 $0xFFFFC000;
	s4 =	smov.u32 s28;
	s1 =	sadd.s32 $0x80, s28  }
0x58: {  	[tilespmem:s13], [sflag:$0x3] =	stream.linear.gather [hbm4b:s3+s13], $0x400, $0x38;
	[tilespmem:$0x1C400] =	vst v63  }
0x59: {  	p0 =	sne.s32 s28, $0x980;
	_ =	swait.ge [sflag:s6], $0x400  }
0x5a: {  	[sflag:s6] =	ssyncset.done $0x0  }
0x5b: {  	s3 =	sadd.s32 s0, s15;
	s0 =	smov.u32 s4;
	[sflag:s6] =	ssyncadd.s32 $0xFFFFFC00  }
0x5c: {  	[tilespmem:s14], [sflag:$0x3] =	stream.linear.gather [hbm4b:s3+s13], $0x400, $0x38;
	[tilespmem:$0x1C400] =	vst v63  }
0x5d: {  	_ =	swait.ge [sflag:s6], $0x400  }
0x5e: {  	[sflag:s6] =	ssyncset.done $0x0  }
0x5f: {  	[sflag:s6] =	ssyncadd.s32 $0xFFFFFC00  }
0x60: {  	[tilespmem:s9], [sflag:$0x1] =	stream.indirect.gather [hbm4b:s10+s7], $0x80, s13, s7, $0xb8;
	[tilespmem:$0x1C400] =	vst v63  }
0x61: {  	_ = 	snop  }
0x62: {  	[tilespmem:s8], [sflag:$0x2] =	stream.indirect.gather [hbm4b:s10+s7], $0x80, s7, s7, $0xb8;
	[tilespmem:$0x1C400] =	vst v63  }
0x63: {  	_ =	swait.ge [sflag:s11], $0x4000  }
0x64: {  	[sflag:s11] =	ssyncset.done $0x0  }
0x65: {  	[sflag:s11] =	ssyncadd.s32 $0xFFFFC000  }
0x66: {  	[spmem:s2] =	stream.indirect.scatter.add.f32 [tilespmem:s9], [sflag:$0x3], $0x80, s14, s7, $0xb8;
	[tilespmem:$0x1C400] =	vst v63  }
0x67: {  	_ =	swait.ge [sflag:s6], $0x4000  }
0x68: {  	[sflag:s6] =	ssyncset.done $0x0  }
0x69: {  	[sflag:s6] =	ssyncadd.s32 $0xFFFFC000  }
0x6a: {  	[tilespmem:s9], [sflag:$0x1] =	stream.indirect.gather [hbm4b:s10+s7], $0x80, s17, s7, $0xb8;
	[tilespmem:$0x1C400] =	vst v63  }
0x6b: {  	_ =	swait.ge [sflag:s12], $0x4000  }
0x6c: {  	[sflag:s12] =	ssyncset.done $0x0  }
0x6d: {  	[sflag:s12] =	ssyncadd.s32 $0xFFFFC000  }
0x6e: {  	[spmem:s2] =	stream.indirect.scatter.add.f32 [tilespmem:s8], [sflag:$0x3], $0x80, s18, s7, $0xb8;
	[tilespmem:$0x1C400] =	vst v63  }
0x6f: {  	_ =	swait.ge [sflag:s6], $0x4000  }
0x70: {  	[sflag:s6] =	ssyncset.done $0x0  }
0x71: {  	[sflag:s6] =	ssyncadd.s32 $0xFFFFC000  }
0x72: {  	[tilespmem:s8], [sflag:$0x2] =	stream.indirect.gather [hbm4b:s10+s7], $0x80, s19, s7, $0xb8;
	[tilespmem:$0x1C400] =	vst v63  }
0x73: {  	_ =	swait.ge [sflag:s11], $0x4000  }
0x74: {  	[sflag:s11] =	ssyncset.done $0x0  }
0x75: {  	[sflag:s11] =	ssyncadd.s32 $0xFFFFC000  }
0x76: {  	[spmem:s2] =	stream.indirect.scatter.add.f32 [tilespmem:s9], [sflag:$0x3], $0x80, s20, s7, $0xb8;
	[tilespmem:$0x1C400] =	vst v63  }
0x77: {  	_ =	swait.ge [sflag:s6], $0x4000  }
0x78: {  	[sflag:s6] =	ssyncset.done $0x0  }
0x79: {  	[sflag:s6] =	ssyncadd.s32 $0xFFFFC000  }
0x7a: {  	[tilespmem:s9], [sflag:$0x1] =	stream.indirect.gather [hbm4b:s10+s7], $0x80, s21, s7, $0xb8;
	[tilespmem:$0x1C400] =	vst v63  }
0x7b: {  	_ =	swait.ge [sflag:s12], $0x4000  }
0x7c: {  	[sflag:s12] =	ssyncset.done $0x0  }
0x7d: {  	[sflag:s12] =	ssyncadd.s32 $0xFFFFC000  }
0x7e: {  	[spmem:s2] =	stream.indirect.scatter.add.f32 [tilespmem:s8], [sflag:$0x3], $0x80, s22, s7, $0xb8;
	[tilespmem:$0x1C400] =	vst v63  }
0x7f: {  	_ =	swait.ge [sflag:s6], $0x4000  }
0x80: {  	[sflag:s6] =	ssyncset.done $0x0  }
0x81: {  	[sflag:s6] =	ssyncadd.s32 $0xFFFFC000  }
0x82: {  	[tilespmem:s8], [sflag:$0x2] =	stream.indirect.gather [hbm4b:s10+s7], $0x80, s23, s7, $0xb8;
	[tilespmem:$0x1C400] =	vst v63  }
0x83: {  	_ =	swait.ge [sflag:s11], $0x4000  }
0x84: {  	[sflag:s11] =	ssyncset.done $0x0  }
0x85: {  	[sflag:s11] =	ssyncadd.s32 $0xFFFFC000  }
0x86: {  	[spmem:s2] =	stream.indirect.scatter.add.f32 [tilespmem:s9], [sflag:$0x3], $0x80, s24, s7, $0xb8;
	[tilespmem:$0x1C400] =	vst v63  }
0x87: {  	_ =	swait.ge [sflag:s6], $0x4000  }
0x88: {  	[sflag:s6] =	ssyncset.done $0x0  }
0x89: {  	[sflag:s6] =	ssyncadd.s32 $0xFFFFC000  }
0x8a: {  	[tilespmem:s9], [sflag:$0x1] =	stream.indirect.gather [hbm4b:s10+s7], $0x80, s25, s7, $0xb8;
	[tilespmem:$0x1C400] =	vst v63  }
0x8b: {  	_ =	swait.ge [sflag:s12], $0x4000  }
0x8c: {  	[sflag:s12] =	ssyncset.done $0x0  }
0x8d: {  	[sflag:s12] =	ssyncadd.s32 $0xFFFFC000  }
0x8e: {  	[spmem:s2] =	stream.indirect.scatter.add.f32 [tilespmem:s8], [sflag:$0x3], $0x80, s26, s7, $0xb8;
	[tilespmem:$0x1C400] =	vst v63  }
0x8f: {  	_ =	swait.ge [sflag:s6], $0x4000  }
0x90: {  	[sflag:s6] =	ssyncset.done $0x0  }
0x91: {  	[sflag:s6] =	ssyncadd.s32 $0xFFFFC000  }
0x92: {  	[tilespmem:s8], [sflag:$0x2] =	stream.indirect.gather [hbm4b:s10+s7], $0x80, s29, s7, $0xb8;
	[tilespmem:$0x1C400] =	vst v63  }
0x93: {  	_ =	swait.ge [sflag:s11], $0x4000  }
0x94: {  	[sflag:s11] =	ssyncset.done $0x0  }
0x95: {  	[sflag:s11] =	ssyncadd.s32 $0xFFFFC000  }
0x96: {  	[spmem:s2] =	stream.indirect.scatter.add.f32 [tilespmem:s9], [sflag:$0x3], $0x80, s30, s7, $0xb8;
	[tilespmem:$0x1C400] =	vst v63  }
0x97: {  	_ =	swait.ge [sflag:s6], $0x4000  }
0x98: {  	[sflag:s6] =	ssyncset.done $0x0  }
0x99: {  	[sflag:s6] =	ssyncadd.s32 $0xFFFFC000  }
0x9a: {  	_ =	swait.ge [sflag:s12], $0x4000  }
.Ltmp0:
0x9b: {  	[sflag:s12] =	ssyncset.done $0x0;
	(pc) =	sbr.rel @p0 .LBB2_1-.Ltmp0, $4  }
0x9c: {  	[sflag:s12] =	ssyncadd.s32 $0xFFFFC000  }
0x9d: {  	[spmem:s2] =	stream.indirect.scatter.add.f32 [tilespmem:s8], [sflag:$0x3], $0x80, s31, s7, $0xb8;
	[tilespmem:$0x1C400] =	vst v63  }
0x9e: {  	_ =	swait.ge [sflag:s6], $0x4000  }
0x9f: {  	s28 =	smov.u32 s1;
	[sflag:s6] =	ssyncset.done $0x0  }
0xa0: {  	s1 =	sadd.s32 s0, s16;
	[sflag:s6] =	ssyncadd.s32 $0xFFFFC000  }
0xa1: {  	[tilespmem:s13], [sflag:$0x3] =	stream.linear.gather [hbm4b:s1+s13], $0x400, $0x38;
	[tilespmem:$0x1C400] =	vst v63  }
0xa2: {  	_ =	swait.ge [sflag:s6], $0x400  }
0xa3: {  	[sflag:s6] =	ssyncset.done $0x0  }
0xa4: {  	s16 =	sadd.s32 s0, s15;
	[sflag:s6] =	ssyncadd.s32 $0xFFFFFC00  }
0xa5: {  	[tilespmem:s14], [sflag:$0x3] =	stream.linear.gather [hbm4b:s16+s13], $0x400, $0x38;
	[tilespmem:$0x1C400] =	vst v63  }
0xa6: {  	_ =	swait.ge [sflag:s6], $0x400  }
0xa7: {  	[sflag:s6] =	ssyncset.done $0x0  }
0xa8: {  	[sflag:s6] =	ssyncadd.s32 $0xFFFFFC00  }
0xa9: {  	[tilespmem:s9], [sflag:$0x1] =	stream.indirect.gather [hbm4b:s10+s7], $0x80, s13, s7, $0xb8;
	[tilespmem:$0x1C400] =	vst v63  }
0xaa: {  	_ = 	snop  }
0xab: {  	[tilespmem:s8], [sflag:$0x2] =	stream.indirect.gather [hbm4b:s10+s7], $0x80, s7, s7, $0xb8;
	[tilespmem:$0x1C400] =	vst v63  }
0xac: {  	_ =	swait.ge [sflag:s11], $0x4000  }
0xad: {  	[sflag:s11] =	ssyncset.done $0x0  }
0xae: {  	[sflag:s11] =	ssyncadd.s32 $0xFFFFC000  }
0xaf: {  	[spmem:s2] =	stream.indirect.scatter.add.f32 [tilespmem:s9], [sflag:$0x3], $0x80, s14, s7, $0xb8;
	[tilespmem:$0x1C400] =	vst v63  }
0xb0: {  	_ =	swait.ge [sflag:s6], $0x4000  }
0xb1: {  	[sflag:s6] =	ssyncset.done $0x0  }
0xb2: {  	[sflag:s6] =	ssyncadd.s32 $0xFFFFC000  }
0xb3: {  	[tilespmem:s9], [sflag:$0x1] =	stream.indirect.gather [hbm4b:s10+s7], $0x80, s17, s7, $0xb8;
	[tilespmem:$0x1C400] =	vst v63  }
0xb4: {  	_ =	swait.ge [sflag:s12], $0x4000  }
0xb5: {  	[sflag:s12] =	ssyncset.done $0x0  }
0xb6: {  	[sflag:s12] =	ssyncadd.s32 $0xFFFFC000  }
0xb7: {  	[spmem:s2] =	stream.indirect.scatter.add.f32 [tilespmem:s8], [sflag:$0x3], $0x80, s18, s7, $0xb8;
	[tilespmem:$0x1C400] =	vst v63  }
0xb8: {  	_ =	swait.ge [sflag:s6], $0x4000  }
0xb9: {  	[sflag:s6] =	ssyncset.done $0x0  }
0xba: {  	[sflag:s6] =	ssyncadd.s32 $0xFFFFC000  }
0xbb: {  	[tilespmem:s8], [sflag:$0x2] =	stream.indirect.gather [hbm4b:s10+s7], $0x80, s19, s7, $0xb8;
	[tilespmem:$0x1C400] =	vst v63  }
0xbc: {  	_ =	swait.ge [sflag:s11], $0x4000  }
0xbd: {  	[sflag:s11] =	ssyncset.done $0x0  }
0xbe: {  	[sflag:s11] =	ssyncadd.s32 $0xFFFFC000  }
0xbf: {  	[spmem:s2] =	stream.indirect.scatter.add.f32 [tilespmem:s9], [sflag:$0x3], $0x80, s20, s7, $0xb8;
	[tilespmem:$0x1C400] =	vst v63  }
0xc0: {  	_ =	swait.ge [sflag:s6], $0x4000  }
0xc1: {  	[sflag:s6] =	ssyncset.done $0x0  }
0xc2: {  	[sflag:s6] =	ssyncadd.s32 $0xFFFFC000  }
0xc3: {  	[tilespmem:s9], [sflag:$0x1] =	stream.indirect.gather [hbm4b:s10+s7], $0x80, s21, s7, $0xb8;
	[tilespmem:$0x1C400] =	vst v63  }
0xc4: {  	_ =	swait.ge [sflag:s12], $0x4000  }
0xc5: {  	[sflag:s12] =	ssyncset.done $0x0  }
0xc6: {  	[sflag:s12] =	ssyncadd.s32 $0xFFFFC000  }
0xc7: {  	[spmem:s2] =	stream.indirect.scatter.add.f32 [tilespmem:s8], [sflag:$0x3], $0x80, s22, s7, $0xb8;
	[tilespmem:$0x1C400] =	vst v63  }
0xc8: {  	_ =	swait.ge [sflag:s6], $0x4000  }
0xc9: {  	[sflag:s6] =	ssyncset.done $0x0  }
0xca: {  	[sflag:s6] =	ssyncadd.s32 $0xFFFFC000  }
0xcb: {  	[tilespmem:s8], [sflag:$0x2] =	stream.indirect.gather [hbm4b:s10+s7], $0x80, s23, s7, $0xb8;
	[tilespmem:$0x1C400] =	vst v63  }
0xcc: {  	_ =	swait.ge [sflag:s11], $0x4000  }
0xcd: {  	[sflag:s11] =	ssyncset.done $0x0  }
0xce: {  	[sflag:s11] =	ssyncadd.s32 $0xFFFFC000  }
0xcf: {  	[spmem:s2] =	stream.indirect.scatter.add.f32 [tilespmem:s9], [sflag:$0x3], $0x80, s24, s7, $0xb8;
	[tilespmem:$0x1C400] =	vst v63  }
0xd0: {  	_ =	swait.ge [sflag:s6], $0x4000  }
0xd1: {  	[sflag:s6] =	ssyncset.done $0x0  }
0xd2: {  	[sflag:s6] =	ssyncadd.s32 $0xFFFFC000  }
0xd3: {  	[tilespmem:s9], [sflag:$0x1] =	stream.indirect.gather [hbm4b:s10+s7], $0x80, s25, s7, $0xb8;
	[tilespmem:$0x1C400] =	vst v63  }
0xd4: {  	_ =	swait.ge [sflag:s12], $0x4000  }
0xd5: {  	[sflag:s12] =	ssyncset.done $0x0  }
0xd6: {  	[sflag:s12] =	ssyncadd.s32 $0xFFFFC000  }
0xd7: {  	[spmem:s2] =	stream.indirect.scatter.add.f32 [tilespmem:s8], [sflag:$0x3], $0x80, s26, s7, $0xb8;
	[tilespmem:$0x1C400] =	vst v63  }
0xd8: {  	_ =	swait.ge [sflag:s6], $0x4000  }
0xd9: {  	[sflag:s6] =	ssyncset.done $0x0  }
0xda: {  	[sflag:s6] =	ssyncadd.s32 $0xFFFFC000  }
0xdb: {  	[tilespmem:s8], [sflag:$0x2] =	stream.indirect.gather [hbm4b:s10+s7], $0x80, s29, s7, $0xb8;
	[tilespmem:$0x1C400] =	vst v63  }
0xdc: {  	_ =	swait.ge [sflag:s11], $0x4000  }
0xdd: {  	[sflag:s11] =	ssyncset.done $0x0  }
0xde: {  	[sflag:s11] =	ssyncadd.s32 $0xFFFFC000  }
0xdf: {  	[spmem:s2] =	stream.indirect.scatter.add.f32 [tilespmem:s9], [sflag:$0x3], $0x80, s30, s7, $0xb8;
	[tilespmem:$0x1C400] =	vst v63  }
0xe0: {  	_ =	swait.ge [sflag:s6], $0x4000  }
0xe1: {  	[sflag:s6] =	ssyncset.done $0x0  }
0xe2: {  	[sflag:s6] =	ssyncadd.s32 $0xFFFFC000  }
0xe3: {  	_ =	swait.ge [sflag:s12], $0x4000  }
0xe4: {  	[sflag:s12] =	ssyncset.done $0x0  }
0xe5: {  	[sflag:s12] =	ssyncadd.s32 $0xFFFFC000  }
0xe6: {  	[spmem:s2] =	stream.indirect.scatter.add.f32 [tilespmem:s8], [sflag:$0x3], $0x80, s31, s7, $0xb8;
	[tilespmem:$0x1C400] =	vst v63  }
0xe7: {  	_ =	swait.ge [sflag:s6], $0x4000  }
0xe8: {  	[sflag:s6] =	ssyncset.done $0x0  }
0xe9: {  	s26 =	rddreg [dreg:$0x4];
	[sflag:s6] =	ssyncadd.s32 $0xFFFFC000  }
0xea: {  	s28 =	rddreg [dreg:$0x6];
	[bflag:$0x0] =	sbarrier.arrive $0xFFFF  }
0xeb: {  	s30 =	simm.s32 $0x3;
	s0 =	sadd.s32 s28, s26;
	s29 =	rddreg [dreg:$0x5]  }
0xec: {  	[hbm:s0], [sflag:s29] =	dma.local [spmem:s5], $0x2780  }
0xed: {  	_ =	swait.ge [sflag:s30], $0x2780  }
0xee: {  	[sflag:s30] =	ssyncset.done $0x0  }
0xef: {  	[sflag:s30] =	ssyncadd.s32 $0xFFFFD880  }
0xf0: {  	_ =	sfence.sel $0x180000  }
0xf1: {  	[bflag:$0x0] =	sbarrier.arrive $0xFFFF  }
0xf2: {  	_ =	strace $0x9000004A  }
0xf3: {  	s31 =	stileid.u32;
	[bflag:$0x2] =	sbarrier.arrive $0xFFFF  }
0xf4: {  	p0 =	sne.s32 s31, $0x0;
	s0 =	rddreg [dreg:$0x3]  }
0xf5: {  	s0 =	sadd.s32 @!p0 $0x100000, s0  }
0xf6: {  	[sflag:s0] =	ssyncadd.tile.s32 @!p0 $0x1;
	_ =	shalt  }
.Lfunc_end2:
_tile_overlayer_lowered:
.L_overlay_start_2:
0xf7: {  	(tag) =	ssettag $0x2  }
0xf8: {  	s0 =	rddreg [dreg:$0x0];
	s2 =	stileid.u32  }
0xf9: {  	s1 =	rddreg [dreg:$0x1];
	p0 =	sne.s32 s2, $0x0  }
0xfa: {  	s3 =	rddreg [dreg:$0x2];
	[bflag:$0x3] =	sbarrier.arrive $0xFFFF;
	s2 =	simm.s32 @!p0 $0x1C03  }
0xfb: {  	[timem:s3], [sflag:s2] =	dma.local @!p0 [hbm:s0], s1  }
0xfc: {  	s0 =	simm.s32 @!p0 $0x3  }
0xfd: {  	_ =	swait.ge @!p0 [sflag:s0], s1  }
0xfe: {  	s1 =	ssub.s32 @!p0 $0x0, s1;
	[sflag:s0] =	ssyncset.done @!p0 $0x0  }
0xff: {  	[sflag:s0] =	ssyncadd.s32 @!p0 s1  }
0x100: {  	[bflag:$0x3] =	sbarrier.arrive $0xFFFF  }
0x101: {  	_ =	shalt  }

</sc_bundles>
